<compile_context>
chip_gen: v7x
topology: tpu7x:2x2x1
jax: 0.10.2.dev20260603
libtpu: 0.0.44.dev20260713+nightly
codegen_flags: <defaults>
</compile_context>

<pallas_src>
import functools

import jax
import jax.numpy as jnp
from jax import lax
from jax.experimental import pallas as pl
from jax.experimental.pallas import tpu as pltpu
from jax.experimental.pallas import tpu_sc as plsc

VOCAB = 100000
HIDDEN = 128
BATCH = 4096
SEQ = 50
EPS = 1e-3
LANES = 16
NH = HIDDEN // LANES

_info = plsc.get_sparse_core_info()
NC, NS = _info.num_cores, _info.num_subcores
NW = NC * NS
BPW = BATCH // NW

_mesh = plsc.VectorSubcoreMesh(core_axis_name="c", subcore_axis_name="s")


RPC = 2
NCHUNK = BPW // RPC
NBUF = 4


@functools.partial(
    pl.kernel,
    mesh=_mesh,
    out_type=jax.ShapeDtypeStruct((BATCH, HIDDEN), jnp.float32),
    scratch_types=[
        pltpu.VMEM((NCHUNK, RPC * SEQ), jnp.int32),
    ] + [pltpu.VMEM((RPC * SEQ, HIDDEN), jnp.float32)] * NBUF
      + [pltpu.VMEM((BPW, HIDDEN), jnp.float32)]
      + [pltpu.SemaphoreType.DMA] * NBUF,
)
def _pool(idx_hbm, table_hbm, out_hbm, idx_v, *rest):
    bufs = rest[:NBUF]
    out_v = rest[NBUF]
    sems = rest[NBUF + 1:]
    wid = lax.axis_index("s") * NC + lax.axis_index("c")
    base = wid * BPW
    pltpu.sync_copy(idx_hbm.at[pl.ds(wid * NCHUNK, NCHUNK)], idx_v)

    inv = jnp.float32(1.0 / SEQ)

    def accum(buf, c):
        def sbody(s, accs):
            a, b = accs
            a = tuple(a[h] + buf[s, pl.ds(LANES * h, LANES)]
                      for h in range(NH))
            b = tuple(b[h] + buf[SEQ + s, pl.ds(LANES * h, LANES)]
                      for h in range(NH))
            return (a, b)
        zeros = tuple(jnp.zeros((LANES,), jnp.float32) for _ in range(NH))
        acc_a, acc_b = lax.fori_loop(0, SEQ, sbody, (zeros, zeros))
        for h in range(NH):
            out_v[RPC * c, pl.ds(LANES * h, LANES)] = acc_a[h] * inv
            out_v[RPC * c + 1, pl.ds(LANES * h, LANES)] = acc_b[h] * inv

    for k in range(NBUF):
        pltpu.async_copy(table_hbm.at[idx_v.at[k]], bufs[k], sems[k])

    def body(i, _):
        for k in range(NBUF):
            c = i * NBUF + k
            pltpu.make_async_copy(
                table_hbm.at[idx_v.at[c]], bufs[k], sems[k]).wait()
            accum(bufs[k], c)

            @pl.when(c + NBUF < NCHUNK)
            def _():
                pltpu.async_copy(
                    table_hbm.at[idx_v.at[c + NBUF]], bufs[k], sems[k])
        return 0

    lax.fori_loop(0, NCHUNK // NBUF, body, 0)

    pltpu.sync_copy(out_v, out_hbm.at[pl.ds(base, BPW)])


def _ln_body(y_ref, bias_ref, gamma_ref, beta_ref, o_ref):
    x = y_ref[...] + bias_ref[...]
    mu = jnp.mean(x, axis=0, keepdims=True)
    d = x - mu
    var = jnp.mean(d * d, axis=0, keepdims=True)
    o_ref[...] = d * lax.rsqrt(var + EPS) * gamma_ref[...] + beta_ref[...]


_ln = pl.pallas_call(
    _ln_body,
    out_shape=jax.ShapeDtypeStruct((BATCH, HIDDEN), jnp.float32),
)


def kernel(inputs, table, bias, gamma, beta):
    y = _pool(inputs.reshape(NW * NCHUNK, RPC * SEQ), table)
    return _ln(
        y,
        bias.reshape(1, HIDDEN),
        gamma.reshape(BATCH, 1),
        beta.reshape(BATCH, 1),
    )

# --- scband reference (transcript-rebuilt; emitter-appended) ---
"""Pipeline reference for scband-context-embedding-layer-10204842295883 (READ-ONLY COPY).

The authoritative reference and input builder live on the scoring server;
editing this copy changes nothing except your own understanding.
"""

import jax, jax.numpy as jnp
import numpy as np

VOCAB = 100000
HIDDEN = 128
BATCH = 4096
SEQ = 50
EPS = 1e-3  # keras LayerNormalization default epsilon


def setup_inputs(seed: int = 0) -> dict:
    key = jax.random.key(seed)
    k1, k2 = jax.random.split(key)
    inputs = jax.random.randint(k1, (BATCH, SEQ), 0, VOCAB, dtype=jnp.int32)
    table = jax.random.normal(k2, (VOCAB, HIDDEN), dtype=jnp.float32) * 0.02
    bias = jnp.zeros((HIDDEN,), dtype=jnp.float32)
    # LayerNormalization(axis=-2) on a [B, H] input builds gamma/beta of shape [B]
    gamma = jnp.ones((BATCH,), dtype=jnp.float32)
    beta = jnp.zeros((BATCH,), dtype=jnp.float32)
    return {"inputs": inputs, "table": table, "bias": bias, "gamma": gamma, "beta": beta}


def reference(inputs, table, bias, gamma, beta):
    # Embedding lookup: [B, L] -> [B, L, H]
    x = jnp.take(table, inputs, axis=0)
    # Mean over sequence axis + bias: [B, H]
    x = jnp.mean(x, axis=1) + bias
    # LayerNormalization with axis=-2 -> normalize over axis 0 (batch) per feature
    mu = jnp.mean(x, axis=0, keepdims=True)
    var = jnp.var(x, axis=0, keepdims=True)
    xn = (x - mu) * jax.lax.rsqrt(var + EPS)
    # gamma/beta broadcast along the normalized axis: shape [B, 1]
    return xn * gamma[:, None] + beta[:, None]

if __name__ == "__main__":
    import jax
    _d = setup_inputs()
    print(jax.jit(kernel)(*tuple(_d.values())))

</pallas_src>

<mosaic_0001>
#map = affine_map<(d0, d1) -> (0, 0)>
module attributes {stable_mosaic.version = 14 : i64} {
  func.func @_pool(%arg0: i32, %arg1: i32, %arg2: memref<2048x100xi32, #tpu.memory_space<hbm>>, %arg3: memref<100000x128xf32, #tpu.memory_space<hbm>>, %arg4: memref<4096x128xf32, #tpu.memory_space<hbm>>, %arg5: memref<64x100xi32, #tpu.memory_space<vmem>>, %arg6: memref<100x128xf32, #tpu.memory_space<vmem>>, %arg7: memref<100x128xf32, #tpu.memory_space<vmem>>, %arg8: memref<100x128xf32, #tpu.memory_space<vmem>>, %arg9: memref<100x128xf32, #tpu.memory_space<vmem>>, %arg10: memref<128x128xf32, #tpu.memory_space<vmem>>, %arg11: memref<!tpu.dma_semaphore, #tpu.memory_space<semaphore_mem>>, %arg12: memref<!tpu.dma_semaphore, #tpu.memory_space<semaphore_mem>>, %arg13: memref<!tpu.dma_semaphore, #tpu.memory_space<semaphore_mem>>, %arg14: memref<!tpu.dma_semaphore, #tpu.memory_space<semaphore_mem>>) attributes {dimension_semantics = [#tpu.dimension_semantics<core_parallel>, #tpu.dimension_semantics<subcore_parallel>], iteration_bounds = array<i64: 2, 16>, scalar_prefetch = 0 : i64, scratch_operands = 10 : i64, tpu.core_type = #tpu.core_type<sc_vector_subcore>, window_params = [{transform_indices = #map}, {transform_indices = #map}, {transform_indices = #map}]} {
    %mul3A = arith.constant 2 : i32
    %mul3A_0 = arith.muli %arg1, %mul3A : i32
    %add3A = arith.addi %mul3A_0, %arg0 : i32
    %mul3A_1 = arith.constant 128 : i32
    %mul3A_2 = arith.muli %add3A, %mul3A_1 : i32
    %mul3A_3 = arith.constant 64 : i32
    %mul3A_4 = arith.muli %add3A, %mul3A_3 : i32
    "tpu.region"() ({
      %run_scoped3A = tpu.sem_alloc : memref<!tpu.dma_semaphore, #tpu.memory_space<semaphore_mem>>
      %dma_start3A_39 = arith.constant 0 : i32
      %dma_start3A_40 = tpu.memref_slice %arg2[%mul3A_4, %dma_start3A_39] : memref<2048x100xi32, #tpu.memory_space<hbm>> -> memref<64x100xi32, #tpu.memory_space<hbm>>
      %dma_start3A_41 = arith.constant 0 : i32
      %dma_start3A_42 = tpu.memref_slice %arg2[%mul3A_4, %dma_start3A_41] : memref<2048x100xi32, #tpu.memory_space<hbm>> -> memref<64x100xi32, #tpu.memory_space<hbm>>
      tpu.enqueue_dma source(%dma_start3A_42 : memref<64x100xi32, #tpu.memory_space<hbm>>) target(%arg5 : memref<64x100xi32, #tpu.memory_space<vmem>>) target_semaphore(%run_scoped3A : memref<!tpu.dma_semaphore, #tpu.memory_space<semaphore_mem>>)
      %dma_wait3A = arith.constant 0 : i32
      %dma_wait3A_43 = tpu.memref_slice %arg2[%mul3A_4, %dma_wait3A] : memref<2048x100xi32, #tpu.memory_space<hbm>> -> memref<64x100xi32, #tpu.memory_space<hbm>>
      %dma_wait3A_44 = arith.constant 0 : i32
      %dma_wait3A_45 = tpu.memref_slice %arg2[%mul3A_4, %dma_wait3A_44] : memref<2048x100xi32, #tpu.memory_space<hbm>> -> memref<64x100xi32, #tpu.memory_space<hbm>>
      tpu.wait_dma2 semaphore(%run_scoped3A : memref<!tpu.dma_semaphore, #tpu.memory_space<semaphore_mem>>) src(%dma_wait3A_45 : memref<64x100xi32, #tpu.memory_space<hbm>>) dst(%arg5 : memref<64x100xi32, #tpu.memory_space<vmem>>)
      tpu.yield
    }) : () -> ()
    %dma_start3A = arith.constant 0 : i32
    %dma_start3A_5 = arith.constant 0 : i32
    %dma_start3A_6 = tpu.memref_slice %arg5[%dma_start3A, %dma_start3A_5] : memref<64x100xi32, #tpu.memory_space<vmem>> -> memref<1x100xi32, #tpu.memory_space<vmem>>
    %dma_start3A_7 = tpu.memref_squeeze %dma_start3A_6 : memref<1x100xi32, #tpu.memory_space<vmem>> -> memref<100xi32, #tpu.memory_space<vmem>>
    %dma_start3A_8 = arith.constant 0 : i32
    %dma_start3A_9 = arith.constant 0 : i32
    %dma_start3A_10 = tpu.memref_slice %arg3[%dma_start3A_8, %dma_start3A_9] : memref<100000x128xf32, #tpu.memory_space<hbm>> -> memref<100000x128xf32, #tpu.memory_space<hbm>>
    tpu.enqueue_indirect_dma source(%dma_start3A_10 : memref<100000x128xf32, #tpu.memory_space<hbm>>) target(%arg6 : memref<100x128xf32, #tpu.memory_space<vmem>>) offsets(%dma_start3A_7 : memref<100xi32, #tpu.memory_space<vmem>>) semaphore(%arg11 : memref<!tpu.dma_semaphore, #tpu.memory_space<semaphore_mem>>)
    %dma_start3A_11 = arith.constant 1 : i32
    %dma_start3A_12 = arith.constant 0 : i32
    %dma_start3A_13 = tpu.memref_slice %arg5[%dma_start3A_11, %dma_start3A_12] : memref<64x100xi32, #tpu.memory_space<vmem>> -> memref<1x100xi32, #tpu.memory_space<vmem>>
    %dma_start3A_14 = tpu.memref_squeeze %dma_start3A_13 : memref<1x100xi32, #tpu.memory_space<vmem>> -> memref<100xi32, #tpu.memory_space<vmem>>
    %dma_start3A_15 = arith.constant 0 : i32
    %dma_start3A_16 = arith.constant 0 : i32
    %dma_start3A_17 = tpu.memref_slice %arg3[%dma_start3A_15, %dma_start3A_16] : memref<100000x128xf32, #tpu.memory_space<hbm>> -> memref<100000x128xf32, #tpu.memory_space<hbm>>
    tpu.enqueue_indirect_dma source(%dma_start3A_17 : memref<100000x128xf32, #tpu.memory_space<hbm>>) target(%arg7 : memref<100x128xf32, #tpu.memory_space<vmem>>) offsets(%dma_start3A_14 : memref<100xi32, #tpu.memory_space<vmem>>) semaphore(%arg12 : memref<!tpu.dma_semaphore, #tpu.memory_space<semaphore_mem>>)
    %dma_start3A_18 = arith.constant 2 : i32
    %dma_start3A_19 = arith.constant 0 : i32
    %dma_start3A_20 = tpu.memref_slice %arg5[%dma_start3A_18, %dma_start3A_19] : memref<64x100xi32, #tpu.memory_space<vmem>> -> memref<1x100xi32, #tpu.memory_space<vmem>>
    %dma_start3A_21 = tpu.memref_squeeze %dma_start3A_20 : memref<1x100xi32, #tpu.memory_space<vmem>> -> memref<100xi32, #tpu.memory_space<vmem>>
    %dma_start3A_22 = arith.constant 0 : i32
    %dma_start3A_23 = arith.constant 0 : i32
    %dma_start3A_24 = tpu.memref_slice %arg3[%dma_start3A_22, %dma_start3A_23] : memref<100000x128xf32, #tpu.memory_space<hbm>> -> memref<100000x128xf32, #tpu.memory_space<hbm>>
    tpu.enqueue_indirect_dma source(%dma_start3A_24 : memref<100000x128xf32, #tpu.memory_space<hbm>>) target(%arg8 : memref<100x128xf32, #tpu.memory_space<vmem>>) offsets(%dma_start3A_21 : memref<100xi32, #tpu.memory_space<vmem>>) semaphore(%arg13 : memref<!tpu.dma_semaphore, #tpu.memory_space<semaphore_mem>>)
    %dma_start3A_25 = arith.constant 3 : i32
    %dma_start3A_26 = arith.constant 0 : i32
    %dma_start3A_27 = tpu.memref_slice %arg5[%dma_start3A_25, %dma_start3A_26] : memref<64x100xi32, #tpu.memory_space<vmem>> -> memref<1x100xi32, #tpu.memory_space<vmem>>
    %dma_start3A_28 = tpu.memref_squeeze %dma_start3A_27 : memref<1x100xi32, #tpu.memory_space<vmem>> -> memref<100xi32, #tpu.memory_space<vmem>>
    %dma_start3A_29 = arith.constant 0 : i32
    %dma_start3A_30 = arith.constant 0 : i32
    %dma_start3A_31 = tpu.memref_slice %arg3[%dma_start3A_29, %dma_start3A_30] : memref<100000x128xf32, #tpu.memory_space<hbm>> -> memref<100000x128xf32, #tpu.memory_space<hbm>>
    tpu.enqueue_indirect_dma source(%dma_start3A_31 : memref<100000x128xf32, #tpu.memory_space<hbm>>) target(%arg9 : memref<100x128xf32, #tpu.memory_space<vmem>>) offsets(%dma_start3A_28 : memref<100xi32, #tpu.memory_space<vmem>>) semaphore(%arg14 : memref<!tpu.dma_semaphore, #tpu.memory_space<semaphore_mem>>)
    %scan3A = arith.constant 2.000000e-02 : f32
    %scan3A_32 = arith.constant 0 : i32
    %scan3A_33 = arith.constant 0 : i32
    %scan3A_34 = arith.constant 16 : i32
    %scan3A_35 = arith.addi %scan3A_33, %scan3A_34 : i32
    %scan3A_36 = arith.constant 1 : i32
    %scan3A_37 = scf.for %scan3A_39 = %scan3A_33 to %scan3A_35 step %scan3A_36 iter_args(%scan3A_40 = %scan3A_32) -> (i32)  : i32 {
      %mul3A_41 = arith.constant 4 : i32
      %mul3A_42 = arith.muli %scan3A_39, %mul3A_41 : i32
      %add3A_43 = arith.constant 0 : i32
      %add3A_44 = arith.addi %mul3A_42, %add3A_43 : i32
      %dma_wait3A = arith.constant 0 : i32
      %dma_wait3A_45 = tpu.memref_slice %arg5[%add3A_44, %dma_wait3A] : memref<64x100xi32, #tpu.memory_space<vmem>> -> memref<1x100xi32, #tpu.memory_space<vmem>>
      %dma_wait3A_46 = tpu.memref_squeeze %dma_wait3A_45 : memref<1x100xi32, #tpu.memory_space<vmem>> -> memref<100xi32, #tpu.memory_space<vmem>>
      %dma_wait3A_47 = arith.constant 0 : i32
      %dma_wait3A_48 = arith.constant 0 : i32
      %dma_wait3A_49 = tpu.memref_slice %arg3[%dma_wait3A_47, %dma_wait3A_48] : memref<100000x128xf32, #tpu.memory_space<hbm>> -> memref<100000x128xf32, #tpu.memory_space<hbm>>
      tpu.wait_indirect_dma semaphore(%arg11 : memref<!tpu.dma_semaphore, #tpu.memory_space<semaphore_mem>>) src(%dma_wait3A_49 : memref<100000x128xf32, #tpu.memory_space<hbm>>) dst(%arg6 : memref<100x128xf32, #tpu.memory_space<vmem>>)
      %broadcast_in_dim3A = arith.constant 0.000000e+00 : f32
      %broadcast_in_dim3A_50 = vector.broadcast %broadcast_in_dim3A : f32 to vector<16xf32>
      %broadcast_in_dim3A_51 = arith.constant 0.000000e+00 : f32
      %broadcast_in_dim3A_52 = vector.broadcast %broadcast_in_dim3A_51 : f32 to vector<16xf32>
      %broadcast_in_dim3A_53 = arith.constant 0.000000e+00 : f32
      %broadcast_in_dim3A_54 = vector.broadcast %broadcast_in_dim3A_53 : f32 to vector<16xf32>
      %broadcast_in_dim3A_55 = arith.constant 0.000000e+00 : f32
      %broadcast_in_dim3A_56 = vector.broadcast %broadcast_in_dim3A_55 : f32 to vector<16xf32>
      %broadcast_in_dim3A_57 = arith.constant 0.000000e+00 : f32
      %broadcast_in_dim3A_58 = vector.broadcast %broadcast_in_dim3A_57 : f32 to vector<16xf32>
      %broadcast_in_dim3A_59 = arith.constant 0.000000e+00 : f32
      %broadcast_in_dim3A_60 = vector.broadcast %broadcast_in_dim3A_59 : f32 to vector<16xf32>
      %broadcast_in_dim3A_61 = arith.constant 0.000000e+00 : f32
      %broadcast_in_dim3A_62 = vector.broadcast %broadcast_in_dim3A_61 : f32 to vector<16xf32>
      %broadcast_in_dim3A_63 = arith.constant 0.000000e+00 : f32
      %broadcast_in_dim3A_64 = vector.broadcast %broadcast_in_dim3A_63 : f32 to vector<16xf32>
      %scan3A_65 = arith.constant 0 : i32
      %scan3A_66 = arith.constant 50 : i32
      %scan3A_67 = arith.addi %scan3A_65, %scan3A_66 : i32
      %scan3A_68 = arith.constant 1 : i32
      %scan3A_69:16 = scf.for %scan3A_832 = %scan3A_65 to %scan3A_67 step %scan3A_68 iter_args(%scan3A_833 = %broadcast_in_dim3A_50, %scan3A_834 = %broadcast_in_dim3A_52, %scan3A_835 = %broadcast_in_dim3A_54, %scan3A_836 = %broadcast_in_dim3A_56, %scan3A_837 = %broadcast_in_dim3A_58, %scan3A_838 = %broadcast_in_dim3A_60, %scan3A_839 = %broadcast_in_dim3A_62, %scan3A_840 = %broadcast_in_dim3A_64, %scan3A_841 = %broadcast_in_dim3A_50, %scan3A_842 = %broadcast_in_dim3A_52, %scan3A_843 = %broadcast_in_dim3A_54, %scan3A_844 = %broadcast_in_dim3A_56, %scan3A_845 = %broadcast_in_dim3A_58, %scan3A_846 = %broadcast_in_dim3A_60, %scan3A_847 = %broadcast_in_dim3A_62, %scan3A_848 = %broadcast_in_dim3A_64) -> (vector<16xf32>, vector<16xf32>, vector<16xf32>, vector<16xf32>, vector<16xf32>, vector<16xf32>, vector<16xf32>, vector<16xf32>, vector<16xf32>, vector<16xf32>, vector<16xf32>, vector<16xf32>, vector<16xf32>, vector<16xf32>, vector<16xf32>, vector<16xf32>)  : i32 {
        %get3A = arith.index_cast %scan3A_832 : i32 to index
        %get3A_849 = arith.constant 0 : index
        %get3A_850 = tpu.vector_load %arg6[%get3A, %get3A_849] {strides = array<i32>} : memref<100x128xf32, #tpu.memory_space<vmem>>, vector<1x16xf32>,
        %get3A_851 = vector.shape_cast %get3A_850 : vector<1x16xf32> to vector<16xf32>
        %add3A_852 = arith.addf %scan3A_833, %get3A_851 : vector<16xf32>
        %get3A_853 = arith.index_cast %scan3A_832 : i32 to index
        %get3A_854 = arith.constant 16 : index
        %get3A_855 = tpu.vector_load %arg6[%get3A_853, %get3A_854] {strides = array<i32>} : memref<100x128xf32, #tpu.memory_space<vmem>>, vector<1x16xf32>,
        %get3A_856 = vector.shape_cast %get3A_855 : vector<1x16xf32> to vector<16xf32>
        %add3A_857 = arith.addf %scan3A_834, %get3A_856 : vector<16xf32>
        %get3A_858 = arith.index_cast %scan3A_832 : i32 to index
        %get3A_859 = arith.constant 32 : index
        %get3A_860 = tpu.vector_load %arg6[%get3A_858, %get3A_859] {strides = array<i32>} : memref<100x128xf32, #tpu.memory_space<vmem>>, vector<1x16xf32>,
        %get3A_861 = vector.shape_cast %get3A_860 : vector<1x16xf32> to vector<16xf32>
        %add3A_862 = arith.addf %scan3A_835, %get3A_861 : vector<16xf32>
        %get3A_863 = arith.index_cast %scan3A_832 : i32 to index
        %get3A_864 = arith.constant 48 : index
        %get3A_865 = tpu.vector_load %arg6[%get3A_863, %get3A_864] {strides = array<i32>} : memref<100x128xf32, #tpu.memory_space<vmem>>, vector<1x16xf32>,
        %get3A_866 = vector.shape_cast %get3A_865 : vector<1x16xf32> to vector<16xf32>
        %add3A_867 = arith.addf %scan3A_836, %get3A_866 : vector<16xf32>
        %get3A_868 = arith.index_cast %scan3A_832 : i32 to index
        %get3A_869 = arith.constant 64 : index
        %get3A_870 = tpu.vector_load %arg6[%get3A_868, %get3A_869] {strides = array<i32>} : memref<100x128xf32, #tpu.memory_space<vmem>>, vector<1x16xf32>,
        %get3A_871 = vector.shape_cast %get3A_870 : vector<1x16xf32> to vector<16xf32>
        %add3A_872 = arith.addf %scan3A_837, %get3A_871 : vector<16xf32>
        %get3A_873 = arith.index_cast %scan3A_832 : i32 to index
        %get3A_874 = arith.constant 80 : index
        %get3A_875 = tpu.vector_load %arg6[%get3A_873, %get3A_874] {strides = array<i32>} : memref<100x128xf32, #tpu.memory_space<vmem>>, vector<1x16xf32>,
        %get3A_876 = vector.shape_cast %get3A_875 : vector<1x16xf32> to vector<16xf32>
        %add3A_877 = arith.addf %scan3A_838, %get3A_876 : vector<16xf32>
        %get3A_878 = arith.index_cast %scan3A_832 : i32 to index
        %get3A_879 = arith.constant 96 : index
        %get3A_880 = tpu.vector_load %arg6[%get3A_878, %get3A_879] {strides = array<i32>} : memref<100x128xf32, #tpu.memory_space<vmem>>, vector<1x16xf32>,
        %get3A_881 = vector.shape_cast %get3A_880 : vector<1x16xf32> to vector<16xf32>
        %add3A_882 = arith.addf %scan3A_839, %get3A_881 : vector<16xf32>
        %get3A_883 = arith.index_cast %scan3A_832 : i32 to index
        %get3A_884 = arith.constant 112 : index
        %get3A_885 = tpu.vector_load %arg6[%get3A_883, %get3A_884] {strides = array<i32>} : memref<100x128xf32, #tpu.memory_space<vmem>>, vector<1x16xf32>,
        %get3A_886 = vector.shape_cast %get3A_885 : vector<1x16xf32> to vector<16xf32>
        %add3A_887 = arith.addf %scan3A_840, %get3A_886 : vector<16xf32>
        %add3A_888 = arith.constant 50 : i32
        %add3A_889 = arith.addi %add3A_888, %scan3A_832 : i32
        %get3A_890 = arith.index_cast %add3A_889 : i32 to index
        %get3A_891 = arith.constant 0 : index
        %get3A_892 = tpu.vector_load %arg6[%get3A_890, %get3A_891] {strides = array<i32>} : memref<100x128xf32, #tpu.memory_space<vmem>>, vector<1x16xf32>,
        %get3A_893 = vector.shape_cast %get3A_892 : vector<1x16xf32> to vector<16xf32>
        %add3A_894 = arith.addf %scan3A_841, %get3A_893 : vector<16xf32>
        %add3A_895 = arith.constant 50 : i32
        %add3A_896 = arith.addi %add3A_895, %scan3A_832 : i32
        %get3A_897 = arith.index_cast %add3A_896 : i32 to index
        %get3A_898 = arith.constant 16 : index
        %get3A_899 = tpu.vector_load %arg6[%get3A_897, %get3A_898] {strides = array<i32>} : memref<100x128xf32, #tpu.memory_space<vmem>>, vector<1x16xf32>,
        %get3A_900 = vector.shape_cast %get3A_899 : vector<1x16xf32> to vector<16xf32>
        %add3A_901 = arith.addf %scan3A_842, %get3A_900 : vector<16xf32>
        %add3A_902 = arith.constant 50 : i32
        %add3A_903 = arith.addi %add3A_902, %scan3A_832 : i32
        %get3A_904 = arith.index_cast %add3A_903 : i32 to index
        %get3A_905 = arith.constant 32 : index
        %get3A_906 = tpu.vector_load %arg6[%get3A_904, %get3A_905] {strides = array<i32>} : memref<100x128xf32, #tpu.memory_space<vmem>>, vector<1x16xf32>,
        %get3A_907 = vector.shape_cast %get3A_906 : vector<1x16xf32> to vector<16xf32>
        %add3A_908 = arith.addf %scan3A_843, %get3A_907 : vector<16xf32>
        %add3A_909 = arith.constant 50 : i32
        %add3A_910 = arith.addi %add3A_909, %scan3A_832 : i32
        %get3A_911 = arith.index_cast %add3A_910 : i32 to index
        %get3A_912 = arith.constant 48 : index
        %get3A_913 = tpu.vector_load %arg6[%get3A_911, %get3A_912] {strides = array<i32>} : memref<100x128xf32, #tpu.memory_space<vmem>>, vector<1x16xf32>,
        %get3A_914 = vector.shape_cast %get3A_913 : vector<1x16xf32> to vector<16xf32>
        %add3A_915 = arith.addf %scan3A_844, %get3A_914 : vector<16xf32>
        %add3A_916 = arith.constant 50 : i32
        %add3A_917 = arith.addi %add3A_916, %scan3A_832 : i32
        %get3A_918 = arith.index_cast %add3A_917 : i32 to index
        %get3A_919 = arith.constant 64 : index
        %get3A_920 = tpu.vector_load %arg6[%get3A_918, %get3A_919] {strides = array<i32>} : memref<100x128xf32, #tpu.memory_space<vmem>>, vector<1x16xf32>,
        %get3A_921 = vector.shape_cast %get3A_920 : vector<1x16xf32> to vector<16xf32>
        %add3A_922 = arith.addf %scan3A_845, %get3A_921 : vector<16xf32>
        %add3A_923 = arith.constant 50 : i32
        %add3A_924 = arith.addi %add3A_923, %scan3A_832 : i32
        %get3A_925 = arith.index_cast %add3A_924 : i32 to index
        %get3A_926 = arith.constant 80 : index
        %get3A_927 = tpu.vector_load %arg6[%get3A_925, %get3A_926] {strides = array<i32>} : memref<100x128xf32, #tpu.memory_space<vmem>>, vector<1x16xf32>,
        %get3A_928 = vector.shape_cast %get3A_927 : vector<1x16xf32> to vector<16xf32>
        %add3A_929 = arith.addf %scan3A_846, %get3A_928 : vector<16xf32>
        %add3A_930 = arith.constant 50 : i32
        %add3A_931 = arith.addi %add3A_930, %scan3A_832 : i32
        %get3A_932 = arith.index_cast %add3A_931 : i32 to index
        %get3A_933 = arith.constant 96 : index
        %get3A_934 = tpu.vector_load %arg6[%get3A_932, %get3A_933] {strides = array<i32>} : memref<100x128xf32, #tpu.memory_space<vmem>>, vector<1x16xf32>,
        %get3A_935 = vector.shape_cast %get3A_934 : vector<1x16xf32> to vector<16xf32>
        %add3A_936 = arith.addf %scan3A_847, %get3A_935 : vector<16xf32>
        %add3A_937 = arith.constant 50 : i32
        %add3A_938 = arith.addi %add3A_937, %scan3A_832 : i32
        %get3A_939 = arith.index_cast %add3A_938 : i32 to index
        %get3A_940 = arith.constant 112 : index
        %get3A_941 = tpu.vector_load %arg6[%get3A_939, %get3A_940] {strides = array<i32>} : memref<100x128xf32, #tpu.memory_space<vmem>>, vector<1x16xf32>,
        %get3A_942 = vector.shape_cast %get3A_941 : vector<1x16xf32> to vector<16xf32>
        %add3A_943 = arith.addf %scan3A_848, %get3A_942 : vector<16xf32>
        scf.yield %add3A_852, %add3A_857, %add3A_862, %add3A_867, %add3A_872, %add3A_877, %add3A_882, %add3A_887, %add3A_894, %add3A_901, %add3A_908, %add3A_915, %add3A_922, %add3A_929, %add3A_936, %add3A_943 : vector<16xf32>, vector<16xf32>, vector<16xf32>, vector<16xf32>, vector<16xf32>, vector<16xf32>, vector<16xf32>, vector<16xf32>, vector<16xf32>, vector<16xf32>, vector<16xf32>, vector<16xf32>, vector<16xf32>, vector<16xf32>, vector<16xf32>, vector<16xf32>
      }
      %scan3A_70 = arith.constant 50 : i32
      %mul3A_71 = vector.broadcast %scan3A : f32 to vector<16xf32>
      %mul3A_72 = arith.mulf %scan3A_69#0, %mul3A_71 : vector<16xf32>
      %mul3A_73 = arith.constant 2 : i32
      %mul3A_74 = arith.muli %mul3A_73, %add3A_44 : i32
      %swap3A = arith.index_cast %mul3A_74 : i32 to index
      %swap3A_75 = arith.constant 0 : index
      %swap3A_76 = tpu.vector_load %arg10[%swap3A, %swap3A_75] {strides = array<i32>} : memref<128x128xf32, #tpu.memory_space<vmem>>, vector<1x16xf32>,
      %swap3A_77 = vector.shape_cast %swap3A_76 : vector<1x16xf32> to vector<16xf32>
      %swap3A_78 = vector.shape_cast %mul3A_72 : vector<16xf32> to vector<1x16xf32>
      tpu.vector_store %arg10[%swap3A, %swap3A_75], %swap3A_78 {strides = array<i32>} : memref<128x128xf32, #tpu.memory_space<vmem>>, vector<1x16xf32>,
      %mul3A_79 = vector.broadcast %scan3A : f32 to vector<16xf32>
      %mul3A_80 = arith.mulf %scan3A_69#8, %mul3A_79 : vector<16xf32>
      %mul3A_81 = arith.constant 2 : i32
      %mul3A_82 = arith.muli %mul3A_81, %add3A_44 : i32
      %add3A_83 = arith.constant 1 : i32
      %add3A_84 = arith.addi %mul3A_82, %add3A_83 : i32
      %swap3A_85 = arith.index_cast %add3A_84 : i32 to index
      %swap3A_86 = arith.constant 0 : index
      %swap3A_87 = tpu.vector_load %arg10[%swap3A_85, %swap3A_86] {strides = array<i32>} : memref<128x128xf32, #tpu.memory_space<vmem>>, vector<1x16xf32>,
      %swap3A_88 = vector.shape_cast %swap3A_87 : vector<1x16xf32> to vector<16xf32>
      %swap3A_89 = vector.shape_cast %mul3A_80 : vector<16xf32> to vector<1x16xf32>
      tpu.vector_store %arg10[%swap3A_85, %swap3A_86], %swap3A_89 {strides = array<i32>} : memref<128x128xf32, #tpu.memory_space<vmem>>, vector<1x16xf32>,
      %mul3A_90 = vector.broadcast %scan3A : f32 to vector<16xf32>
      %mul3A_91 = arith.mulf %scan3A_69#1, %mul3A_90 : vector<16xf32>
      %mul3A_92 = arith.constant 2 : i32
      %mul3A_93 = arith.muli %mul3A_92, %add3A_44 : i32
      %swap3A_94 = arith.index_cast %mul3A_93 : i32 to index
      %swap3A_95 = arith.constant 16 : index
      %swap3A_96 = tpu.vector_load %arg10[%swap3A_94, %swap3A_95] {strides = array<i32>} : memref<128x128xf32, #tpu.memory_space<vmem>>, vector<1x16xf32>,
      %swap3A_97 = vector.shape_cast %swap3A_96 : vector<1x16xf32> to vector<16xf32>
      %swap3A_98 = vector.shape_cast %mul3A_91 : vector<16xf32> to vector<1x16xf32>
      tpu.vector_store %arg10[%swap3A_94, %swap3A_95], %swap3A_98 {strides = array<i32>} : memref<128x128xf32, #tpu.memory_space<vmem>>, vector<1x16xf32>,
      %mul3A_99 = vector.broadcast %scan3A : f32 to vector<16xf32>
      %mul3A_100 = arith.mulf %scan3A_69#9, %mul3A_99 : vector<16xf32>
      %mul3A_101 = arith.constant 2 : i32
      %mul3A_102 = arith.muli %mul3A_101, %add3A_44 : i32
      %add3A_103 = arith.constant 1 : i32
      %add3A_104 = arith.addi %mul3A_102, %add3A_103 : i32
      %swap3A_105 = arith.index_cast %add3A_104 : i32 to index
      %swap3A_106 = arith.constant 16 : index
      %swap3A_107 = tpu.vector_load %arg10[%swap3A_105, %swap3A_106] {strides = array<i32>} : memref<128x128xf32, #tpu.memory_space<vmem>>, vector<1x16xf32>,
      %swap3A_108 = vector.shape_cast %swap3A_107 : vector<1x16xf32> to vector<16xf32>
      %swap3A_109 = vector.shape_cast %mul3A_100 : vector<16xf32> to vector<1x16xf32>
      tpu.vector_store %arg10[%swap3A_105, %swap3A_106], %swap3A_109 {strides = array<i32>} : memref<128x128xf32, #tpu.memory_space<vmem>>, vector<1x16xf32>,
      %mul3A_110 = vector.broadcast %scan3A : f32 to vector<16xf32>
      %mul3A_111 = arith.mulf %scan3A_69#2, %mul3A_110 : vector<16xf32>
      %mul3A_112 = arith.constant 2 : i32
      %mul3A_113 = arith.muli %mul3A_112, %add3A_44 : i32
      %swap3A_114 = arith.index_cast %mul3A_113 : i32 to index
      %swap3A_115 = arith.constant 32 : index
      %swap3A_116 = tpu.vector_load %arg10[%swap3A_114, %swap3A_115] {strides = array<i32>} : memref<128x128xf32, #tpu.memory_space<vmem>>, vector<1x16xf32>,
      %swap3A_117 = vector.shape_cast %swap3A_116 : vector<1x16xf32> to vector<16xf32>
      %swap3A_118 = vector.shape_cast %mul3A_111 : vector<16xf32> to vector<1x16xf32>
      tpu.vector_store %arg10[%swap3A_114, %swap3A_115], %swap3A_118 {strides = array<i32>} : memref<128x128xf32, #tpu.memory_space<vmem>>, vector<1x16xf32>,
      %mul3A_119 = vector.broadcast %scan3A : f32 to vector<16xf32>
      %mul3A_120 = arith.mulf %scan3A_69#10, %mul3A_119 : vector<16xf32>
      %mul3A_121 = arith.constant 2 : i32
      %mul3A_122 = arith.muli %mul3A_121, %add3A_44 : i32
      %add3A_123 = arith.constant 1 : i32
      %add3A_124 = arith.addi %mul3A_122, %add3A_123 : i32
      %swap3A_125 = arith.index_cast %add3A_124 : i32 to index
      %swap3A_126 = arith.constant 32 : index
      %swap3A_127 = tpu.vector_load %arg10[%swap3A_125, %swap3A_126] {strides = array<i32>} : memref<128x128xf32, #tpu.memory_space<vmem>>, vector<1x16xf32>,
      %swap3A_128 = vector.shape_cast %swap3A_127 : vector<1x16xf32> to vector<16xf32>
      %swap3A_129 = vector.shape_cast %mul3A_120 : vector<16xf32> to vector<1x16xf32>
      tpu.vector_store %arg10[%swap3A_125, %swap3A_126], %swap3A_129 {strides = array<i32>} : memref<128x128xf32, #tpu.memory_space<vmem>>, vector<1x16xf32>,
      %mul3A_130 = vector.broadcast %scan3A : f32 to vector<16xf32>
      %mul3A_131 = arith.mulf %scan3A_69#3, %mul3A_130 : vector<16xf32>
      %mul3A_132 = arith.constant 2 : i32
      %mul3A_133 = arith.muli %mul3A_132, %add3A_44 : i32
      %swap3A_134 = arith.index_cast %mul3A_133 : i32 to index
      %swap3A_135 = arith.constant 48 : index
      %swap3A_136 = tpu.vector_load %arg10[%swap3A_134, %swap3A_135] {strides = array<i32>} : memref<128x128xf32, #tpu.memory_space<vmem>>, vector<1x16xf32>,
      %swap3A_137 = vector.shape_cast %swap3A_136 : vector<1x16xf32> to vector<16xf32>
      %swap3A_138 = vector.shape_cast %mul3A_131 : vector<16xf32> to vector<1x16xf32>
      tpu.vector_store %arg10[%swap3A_134, %swap3A_135], %swap3A_138 {strides = array<i32>} : memref<128x128xf32, #tpu.memory_space<vmem>>, vector<1x16xf32>,
      %mul3A_139 = vector.broadcast %scan3A : f32 to vector<16xf32>
      %mul3A_140 = arith.mulf %scan3A_69#11, %mul3A_139 : vector<16xf32>
      %mul3A_141 = arith.constant 2 : i32
      %mul3A_142 = arith.muli %mul3A_141, %add3A_44 : i32
      %add3A_143 = arith.constant 1 : i32
      %add3A_144 = arith.addi %mul3A_142, %add3A_143 : i32
      %swap3A_145 = arith.index_cast %add3A_144 : i32 to index
      %swap3A_146 = arith.constant 48 : index
      %swap3A_147 = tpu.vector_load %arg10[%swap3A_145, %swap3A_146] {strides = array<i32>} : memref<128x128xf32, #tpu.memory_space<vmem>>, vector<1x16xf32>,
      %swap3A_148 = vector.shape_cast %swap3A_147 : vector<1x16xf32> to vector<16xf32>
      %swap3A_149 = vector.shape_cast %mul3A_140 : vector<16xf32> to vector<1x16xf32>
      tpu.vector_store %arg10[%swap3A_145, %swap3A_146], %swap3A_149 {strides = array<i32>} : memref<128x128xf32, #tpu.memory_space<vmem>>, vector<1x16xf32>,
      %mul3A_150 = vector.broadcast %scan3A : f32 to vector<16xf32>
      %mul3A_151 = arith.mulf %scan3A_69#4, %mul3A_150 : vector<16xf32>
      %mul3A_152 = arith.constant 2 : i32
      %mul3A_153 = arith.muli %mul3A_152, %add3A_44 : i32
      %swap3A_154 = arith.index_cast %mul3A_153 : i32 to index
      %swap3A_155 = arith.constant 64 : index
      %swap3A_156 = tpu.vector_load %arg10[%swap3A_154, %swap3A_155] {strides = array<i32>} : memref<128x128xf32, #tpu.memory_space<vmem>>, vector<1x16xf32>,
      %swap3A_157 = vector.shape_cast %swap3A_156 : vector<1x16xf32> to vector<16xf32>
      %swap3A_158 = vector.shape_cast %mul3A_151 : vector<16xf32> to vector<1x16xf32>
      tpu.vector_store %arg10[%swap3A_154, %swap3A_155], %swap3A_158 {strides = array<i32>} : memref<128x128xf32, #tpu.memory_space<vmem>>, vector<1x16xf32>,
      %mul3A_159 = vector.broadcast %scan3A : f32 to vector<16xf32>
      %mul3A_160 = arith.mulf %scan3A_69#12, %mul3A_159 : vector<16xf32>
      %mul3A_161 = arith.constant 2 : i32
      %mul3A_162 = arith.muli %mul3A_161, %add3A_44 : i32
      %add3A_163 = arith.constant 1 : i32
      %add3A_164 = arith.addi %mul3A_162, %add3A_163 : i32
      %swap3A_165 = arith.index_cast %add3A_164 : i32 to index
      %swap3A_166 = arith.constant 64 : index
      %swap3A_167 = tpu.vector_load %arg10[%swap3A_165, %swap3A_166] {strides = array<i32>} : memref<128x128xf32, #tpu.memory_space<vmem>>, vector<1x16xf32>,
      %swap3A_168 = vector.shape_cast %swap3A_167 : vector<1x16xf32> to vector<16xf32>
      %swap3A_169 = vector.shape_cast %mul3A_160 : vector<16xf32> to vector<1x16xf32>
      tpu.vector_store %arg10[%swap3A_165, %swap3A_166], %swap3A_169 {strides = array<i32>} : memref<128x128xf32, #tpu.memory_space<vmem>>, vector<1x16xf32>,
      %mul3A_170 = vector.broadcast %scan3A : f32 to vector<16xf32>
      %mul3A_171 = arith.mulf %scan3A_69#5, %mul3A_170 : vector<16xf32>
      %mul3A_172 = arith.constant 2 : i32
      %mul3A_173 = arith.muli %mul3A_172, %add3A_44 : i32
      %swap3A_174 = arith.index_cast %mul3A_173 : i32 to index
      %swap3A_175 = arith.constant 80 : index
      %swap3A_176 = tpu.vector_load %arg10[%swap3A_174, %swap3A_175] {strides = array<i32>} : memref<128x128xf32, #tpu.memory_space<vmem>>, vector<1x16xf32>,
      %swap3A_177 = vector.shape_cast %swap3A_176 : vector<1x16xf32> to vector<16xf32>
      %swap3A_178 = vector.shape_cast %mul3A_171 : vector<16xf32> to vector<1x16xf32>
      tpu.vector_store %arg10[%swap3A_174, %swap3A_175], %swap3A_178 {strides = array<i32>} : memref<128x128xf32, #tpu.memory_space<vmem>>, vector<1x16xf32>,
      %mul3A_179 = vector.broadcast %scan3A : f32 to vector<16xf32>
      %mul3A_180 = arith.mulf %scan3A_69#13, %mul3A_179 : vector<16xf32>
      %mul3A_181 = arith.constant 2 : i32
      %mul3A_182 = arith.muli %mul3A_181, %add3A_44 : i32
      %add3A_183 = arith.constant 1 : i32
      %add3A_184 = arith.addi %mul3A_182, %add3A_183 : i32
      %swap3A_185 = arith.index_cast %add3A_184 : i32 to index
      %swap3A_186 = arith.constant 80 : index
      %swap3A_187 = tpu.vector_load %arg10[%swap3A_185, %swap3A_186] {strides = array<i32>} : memref<128x128xf32, #tpu.memory_space<vmem>>, vector<1x16xf32>,
      %swap3A_188 = vector.shape_cast %swap3A_187 : vector<1x16xf32> to vector<16xf32>
      %swap3A_189 = vector.shape_cast %mul3A_180 : vector<16xf32> to vector<1x16xf32>
      tpu.vector_store %arg10[%swap3A_185, %swap3A_186], %swap3A_189 {strides = array<i32>} : memref<128x128xf32, #tpu.memory_space<vmem>>, vector<1x16xf32>,
      %mul3A_190 = vector.broadcast %scan3A : f32 to vector<16xf32>
      %mul3A_191 = arith.mulf %scan3A_69#6, %mul3A_190 : vector<16xf32>
      %mul3A_192 = arith.constant 2 : i32
      %mul3A_193 = arith.muli %mul3A_192, %add3A_44 : i32
      %swap3A_194 = arith.index_cast %mul3A_193 : i32 to index
      %swap3A_195 = arith.constant 96 : index
      %swap3A_196 = tpu.vector_load %arg10[%swap3A_194, %swap3A_195] {strides = array<i32>} : memref<128x128xf32, #tpu.memory_space<vmem>>, vector<1x16xf32>,
      %swap3A_197 = vector.shape_cast %swap3A_196 : vector<1x16xf32> to vector<16xf32>
      %swap3A_198 = vector.shape_cast %mul3A_191 : vector<16xf32> to vector<1x16xf32>
      tpu.vector_store %arg10[%swap3A_194, %swap3A_195], %swap3A_198 {strides = array<i32>} : memref<128x128xf32, #tpu.memory_space<vmem>>, vector<1x16xf32>,
      %mul3A_199 = vector.broadcast %scan3A : f32 to vector<16xf32>
      %mul3A_200 = arith.mulf %scan3A_69#14, %mul3A_199 : vector<16xf32>
      %mul3A_201 = arith.constant 2 : i32
      %mul3A_202 = arith.muli %mul3A_201, %add3A_44 : i32
      %add3A_203 = arith.constant 1 : i32
      %add3A_204 = arith.addi %mul3A_202, %add3A_203 : i32
      %swap3A_205 = arith.index_cast %add3A_204 : i32 to index
      %swap3A_206 = arith.constant 96 : index
      %swap3A_207 = tpu.vector_load %arg10[%swap3A_205, %swap3A_206] {strides = array<i32>} : memref<128x128xf32, #tpu.memory_space<vmem>>, vector<1x16xf32>,
      %swap3A_208 = vector.shape_cast %swap3A_207 : vector<1x16xf32> to vector<16xf32>
      %swap3A_209 = vector.shape_cast %mul3A_200 : vector<16xf32> to vector<1x16xf32>
      tpu.vector_store %arg10[%swap3A_205, %swap3A_206], %swap3A_209 {strides = array<i32>} : memref<128x128xf32, #tpu.memory_space<vmem>>, vector<1x16xf32>,
      %mul3A_210 = vector.broadcast %scan3A : f32 to vector<16xf32>
      %mul3A_211 = arith.mulf %scan3A_69#7, %mul3A_210 : vector<16xf32>
      %mul3A_212 = arith.constant 2 : i32
      %mul3A_213 = arith.muli %mul3A_212, %add3A_44 : i32
      %swap3A_214 = arith.index_cast %mul3A_213 : i32 to index
      %swap3A_215 = arith.constant 112 : index
      %swap3A_216 = tpu.vector_load %arg10[%swap3A_214, %swap3A_215] {strides = array<i32>} : memref<128x128xf32, #tpu.memory_space<vmem>>, vector<1x16xf32>,
      %swap3A_217 = vector.shape_cast %swap3A_216 : vector<1x16xf32> to vector<16xf32>
      %swap3A_218 = vector.shape_cast %mul3A_211 : vector<16xf32> to vector<1x16xf32>
      tpu.vector_store %arg10[%swap3A_214, %swap3A_215], %swap3A_218 {strides = array<i32>} : memref<128x128xf32, #tpu.memory_space<vmem>>, vector<1x16xf32>,
      %mul3A_219 = vector.broadcast %scan3A : f32 to vector<16xf32>
      %mul3A_220 = arith.mulf %scan3A_69#15, %mul3A_219 : vector<16xf32>
      %mul3A_221 = arith.constant 2 : i32
      %mul3A_222 = arith.muli %mul3A_221, %add3A_44 : i32
      %add3A_223 = arith.constant 1 : i32
      %add3A_224 = arith.addi %mul3A_222, %add3A_223 : i32
      %swap3A_225 = arith.index_cast %add3A_224 : i32 to index
      %swap3A_226 = arith.constant 112 : index
      %swap3A_227 = tpu.vector_load %arg10[%swap3A_225, %swap3A_226] {strides = array<i32>} : memref<128x128xf32, #tpu.memory_space<vmem>>, vector<1x16xf32>,
      %swap3A_228 = vector.shape_cast %swap3A_227 : vector<1x16xf32> to vector<16xf32>
      %swap3A_229 = vector.shape_cast %mul3A_220 : vector<16xf32> to vector<1x16xf32>
      tpu.vector_store %arg10[%swap3A_225, %swap3A_226], %swap3A_229 {strides = array<i32>} : memref<128x128xf32, #tpu.memory_space<vmem>>, vector<1x16xf32>,
      %add3A_230 = arith.constant 4 : i32
      %add3A_231 = arith.addi %add3A_44, %add3A_230 : i32
      %lt3A = arith.constant 64 : i32
      %lt3A_232 = arith.cmpi slt, %add3A_231, %lt3A : i32
      %convert_element_type3A = arith.extui %lt3A_232 : i1 to i32
      %cond3A = arith.constant 0 : i32
      %cond3A_233 = arith.cmpi ne, %convert_element_type3A, %cond3A : i32
      scf.if %cond3A_233 {
        %add3A_832 = arith.constant 4 : i32
        %add3A_833 = arith.addi %add3A_44, %add3A_832 : i32
        %dma_start3A_834 = arith.constant 0 : i32
        %dma_start3A_835 = tpu.memref_slice %arg5[%add3A_833, %dma_start3A_834] : memref<64x100xi32, #tpu.memory_space<vmem>> -> memref<1x100xi32, #tpu.memory_space<vmem>>
        %dma_start3A_836 = tpu.memref_squeeze %dma_start3A_835 : memref<1x100xi32, #tpu.memory_space<vmem>> -> memref<100xi32, #tpu.memory_space<vmem>>
        %dma_start3A_837 = arith.constant 0 : i32
        %dma_start3A_838 = arith.constant 0 : i32
        %dma_start3A_839 = tpu.memref_slice %arg3[%dma_start3A_837, %dma_start3A_838] : memref<100000x128xf32, #tpu.memory_space<hbm>> -> memref<100000x128xf32, #tpu.memory_space<hbm>>
        tpu.enqueue_indirect_dma source(%dma_start3A_839 : memref<100000x128xf32, #tpu.memory_space<hbm>>) target(%arg6 : memref<100x128xf32, #tpu.memory_space<vmem>>) offsets(%dma_start3A_836 : memref<100xi32, #tpu.memory_space<vmem>>) semaphore(%arg11 : memref<!tpu.dma_semaphore, #tpu.memory_space<semaphore_mem>>)
      } else {
      }
      %mul3A_234 = arith.constant 4 : i32
      %mul3A_235 = arith.muli %scan3A_39, %mul3A_234 : i32
      %add3A_236 = arith.constant 1 : i32
      %add3A_237 = arith.addi %mul3A_235, %add3A_236 : i32
      %dma_wait3A_238 = arith.constant 0 : i32
      %dma_wait3A_239 = tpu.memref_slice %arg5[%add3A_237, %dma_wait3A_238] : memref<64x100xi32, #tpu.memory_space<vmem>> -> memref<1x100xi32, #tpu.memory_space<vmem>>
      %dma_wait3A_240 = tpu.memref_squeeze %dma_wait3A_239 : memref<1x100xi32, #tpu.memory_space<vmem>> -> memref<100xi32, #tpu.memory_space<vmem>>
      %dma_wait3A_241 = arith.constant 0 : i32
      %dma_wait3A_242 = arith.constant 0 : i32
      %dma_wait3A_243 = tpu.memref_slice %arg3[%dma_wait3A_241, %dma_wait3A_242] : memref<100000x128xf32, #tpu.memory_space<hbm>> -> memref<100000x128xf32, #tpu.memory_space<hbm>>
      tpu.wait_indirect_dma semaphore(%arg12 : memref<!tpu.dma_semaphore, #tpu.memory_space<semaphore_mem>>) src(%dma_wait3A_243 : memref<100000x128xf32, #tpu.memory_space<hbm>>) dst(%arg7 : memref<100x128xf32, #tpu.memory_space<vmem>>)
      %broadcast_in_dim3A_244 = arith.constant 0.000000e+00 : f32
      %broadcast_in_dim3A_245 = vector.broadcast %broadcast_in_dim3A_244 : f32 to vector<16xf32>
      %broadcast_in_dim3A_246 = arith.constant 0.000000e+00 : f32
      %broadcast_in_dim3A_247 = vector.broadcast %broadcast_in_dim3A_246 : f32 to vector<16xf32>
      %broadcast_in_dim3A_248 = arith.constant 0.000000e+00 : f32
      %broadcast_in_dim3A_249 = vector.broadcast %broadcast_in_dim3A_248 : f32 to vector<16xf32>
      %broadcast_in_dim3A_250 = arith.constant 0.000000e+00 : f32
      %broadcast_in_dim3A_251 = vector.broadcast %broadcast_in_dim3A_250 : f32 to vector<16xf32>
      %broadcast_in_dim3A_252 = arith.constant 0.000000e+00 : f32
      %broadcast_in_dim3A_253 = vector.broadcast %broadcast_in_dim3A_252 : f32 to vector<16xf32>
      %broadcast_in_dim3A_254 = arith.constant 0.000000e+00 : f32
      %broadcast_in_dim3A_255 = vector.broadcast %broadcast_in_dim3A_254 : f32 to vector<16xf32>
      %broadcast_in_dim3A_256 = arith.constant 0.000000e+00 : f32
      %broadcast_in_dim3A_257 = vector.broadcast %broadcast_in_dim3A_256 : f32 to vector<16xf32>
      %broadcast_in_dim3A_258 = arith.constant 0.000000e+00 : f32
      %broadcast_in_dim3A_259 = vector.broadcast %broadcast_in_dim3A_258 : f32 to vector<16xf32>
      %scan3A_260 = arith.constant 0 : i32
      %scan3A_261 = arith.constant 50 : i32
      %scan3A_262 = arith.addi %scan3A_260, %scan3A_261 : i32
      %scan3A_263 = arith.constant 1 : i32
      %scan3A_264:16 = scf.for %scan3A_832 = %scan3A_260 to %scan3A_262 step %scan3A_263 iter_args(%scan3A_833 = %broadcast_in_dim3A_245, %scan3A_834 = %broadcast_in_dim3A_247, %scan3A_835 = %broadcast_in_dim3A_249, %scan3A_836 = %broadcast_in_dim3A_251, %scan3A_837 = %broadcast_in_dim3A_253, %scan3A_838 = %broadcast_in_dim3A_255, %scan3A_839 = %broadcast_in_dim3A_257, %scan3A_840 = %broadcast_in_dim3A_259, %scan3A_841 = %broadcast_in_dim3A_245, %scan3A_842 = %broadcast_in_dim3A_247, %scan3A_843 = %broadcast_in_dim3A_249, %scan3A_844 = %broadcast_in_dim3A_251, %scan3A_845 = %broadcast_in_dim3A_253, %scan3A_846 = %broadcast_in_dim3A_255, %scan3A_847 = %broadcast_in_dim3A_257, %scan3A_848 = %broadcast_in_dim3A_259) -> (vector<16xf32>, vector<16xf32>, vector<16xf32>, vector<16xf32>, vector<16xf32>, vector<16xf32>, vector<16xf32>, vector<16xf32>, vector<16xf32>, vector<16xf32>, vector<16xf32>, vector<16xf32>, vector<16xf32>, vector<16xf32>, vector<16xf32>, vector<16xf32>)  : i32 {
        %get3A = arith.index_cast %scan3A_832 : i32 to index
        %get3A_849 = arith.constant 0 : index
        %get3A_850 = tpu.vector_load %arg7[%get3A, %get3A_849] {strides = array<i32>} : memref<100x128xf32, #tpu.memory_space<vmem>>, vector<1x16xf32>,
        %get3A_851 = vector.shape_cast %get3A_850 : vector<1x16xf32> to vector<16xf32>
        %add3A_852 = arith.addf %scan3A_833, %get3A_851 : vector<16xf32>
        %get3A_853 = arith.index_cast %scan3A_832 : i32 to index
        %get3A_854 = arith.constant 16 : index
        %get3A_855 = tpu.vector_load %arg7[%get3A_853, %get3A_854] {strides = array<i32>} : memref<100x128xf32, #tpu.memory_space<vmem>>, vector<1x16xf32>,
        %get3A_856 = vector.shape_cast %get3A_855 : vector<1x16xf32> to vector<16xf32>
        %add3A_857 = arith.addf %scan3A_834, %get3A_856 : vector<16xf32>
        %get3A_858 = arith.index_cast %scan3A_832 : i32 to index
        %get3A_859 = arith.constant 32 : index
        %get3A_860 = tpu.vector_load %arg7[%get3A_858, %get3A_859] {strides = array<i32>} : memref<100x128xf32, #tpu.memory_space<vmem>>, vector<1x16xf32>,
        %get3A_861 = vector.shape_cast %get3A_860 : vector<1x16xf32> to vector<16xf32>
        %add3A_862 = arith.addf %scan3A_835, %get3A_861 : vector<16xf32>
        %get3A_863 = arith.index_cast %scan3A_832 : i32 to index
        %get3A_864 = arith.constant 48 : index
        %get3A_865 = tpu.vector_load %arg7[%get3A_863, %get3A_864] {strides = array<i32>} : memref<100x128xf32, #tpu.memory_space<vmem>>, vector<1x16xf32>,
        %get3A_866 = vector.shape_cast %get3A_865 : vector<1x16xf32> to vector<16xf32>
        %add3A_867 = arith.addf %scan3A_836, %get3A_866 : vector<16xf32>
        %get3A_868 = arith.index_cast %scan3A_832 : i32 to index
        %get3A_869 = arith.constant 64 : index
        %get3A_870 = tpu.vector_load %arg7[%get3A_868, %get3A_869] {strides = array<i32>} : memref<100x128xf32, #tpu.memory_space<vmem>>, vector<1x16xf32>,
        %get3A_871 = vector.shape_cast %get3A_870 : vector<1x16xf32> to vector<16xf32>
        %add3A_872 = arith.addf %scan3A_837, %get3A_871 : vector<16xf32>
        %get3A_873 = arith.index_cast %scan3A_832 : i32 to index
        %get3A_874 = arith.constant 80 : index
        %get3A_875 = tpu.vector_load %arg7[%get3A_873, %get3A_874] {strides = array<i32>} : memref<100x128xf32, #tpu.memory_space<vmem>>, vector<1x16xf32>,
        %get3A_876 = vector.shape_cast %get3A_875 : vector<1x16xf32> to vector<16xf32>
        %add3A_877 = arith.addf %scan3A_838, %get3A_876 : vector<16xf32>
        %get3A_878 = arith.index_cast %scan3A_832 : i32 to index
        %get3A_879 = arith.constant 96 : index
        %get3A_880 = tpu.vector_load %arg7[%get3A_878, %get3A_879] {strides = array<i32>} : memref<100x128xf32, #tpu.memory_space<vmem>>, vector<1x16xf32>,
        %get3A_881 = vector.shape_cast %get3A_880 : vector<1x16xf32> to vector<16xf32>
        %add3A_882 = arith.addf %scan3A_839, %get3A_881 : vector<16xf32>
        %get3A_883 = arith.index_cast %scan3A_832 : i32 to index
        %get3A_884 = arith.constant 112 : index
        %get3A_885 = tpu.vector_load %arg7[%get3A_883, %get3A_884] {strides = array<i32>} : memref<100x128xf32, #tpu.memory_space<vmem>>, vector<1x16xf32>,
        %get3A_886 = vector.shape_cast %get3A_885 : vector<1x16xf32> to vector<16xf32>
        %add3A_887 = arith.addf %scan3A_840, %get3A_886 : vector<16xf32>
        %add3A_888 = arith.constant 50 : i32
        %add3A_889 = arith.addi %add3A_888, %scan3A_832 : i32
        %get3A_890 = arith.index_cast %add3A_889 : i32 to index
        %get3A_891 = arith.constant 0 : index
        %get3A_892 = tpu.vector_load %arg7[%get3A_890, %get3A_891] {strides = array<i32>} : memref<100x128xf32, #tpu.memory_space<vmem>>, vector<1x16xf32>,
        %get3A_893 = vector.shape_cast %get3A_892 : vector<1x16xf32> to vector<16xf32>
        %add3A_894 = arith.addf %scan3A_841, %get3A_893 : vector<16xf32>
        %add3A_895 = arith.constant 50 : i32
        %add3A_896 = arith.addi %add3A_895, %scan3A_832 : i32
        %get3A_897 = arith.index_cast %add3A_896 : i32 to index
        %get3A_898 = arith.constant 16 : index
        %get3A_899 = tpu.vector_load %arg7[%get3A_897, %get3A_898] {strides = array<i32>} : memref<100x128xf32, #tpu.memory_space<vmem>>, vector<1x16xf32>,
        %get3A_900 = vector.shape_cast %get3A_899 : vector<1x16xf32> to vector<16xf32>
        %add3A_901 = arith.addf %scan3A_842, %get3A_900 : vector<16xf32>
        %add3A_902 = arith.constant 50 : i32
        %add3A_903 = arith.addi %add3A_902, %scan3A_832 : i32
        %get3A_904 = arith.index_cast %add3A_903 : i32 to index
        %get3A_905 = arith.constant 32 : index
        %get3A_906 = tpu.vector_load %arg7[%get3A_904, %get3A_905] {strides = array<i32>} : memref<100x128xf32, #tpu.memory_space<vmem>>, vector<1x16xf32>,
        %get3A_907 = vector.shape_cast %get3A_906 : vector<1x16xf32> to vector<16xf32>
        %add3A_908 = arith.addf %scan3A_843, %get3A_907 : vector<16xf32>
        %add3A_909 = arith.constant 50 : i32
        %add3A_910 = arith.addi %add3A_909, %scan3A_832 : i32
        %get3A_911 = arith.index_cast %add3A_910 : i32 to index
        %get3A_912 = arith.constant 48 : index
        %get3A_913 = tpu.vector_load %arg7[%get3A_911, %get3A_912] {strides = array<i32>} : memref<100x128xf32, #tpu.memory_space<vmem>>, vector<1x16xf32>,
        %get3A_914 = vector.shape_cast %get3A_913 : vector<1x16xf32> to vector<16xf32>
        %add3A_915 = arith.addf %scan3A_844, %get3A_914 : vector<16xf32>
        %add3A_916 = arith.constant 50 : i32
        %add3A_917 = arith.addi %add3A_916, %scan3A_832 : i32
        %get3A_918 = arith.index_cast %add3A_917 : i32 to index
        %get3A_919 = arith.constant 64 : index
        %get3A_920 = tpu.vector_load %arg7[%get3A_918, %get3A_919] {strides = array<i32>} : memref<100x128xf32, #tpu.memory_space<vmem>>, vector<1x16xf32>,
        %get3A_921 = vector.shape_cast %get3A_920 : vector<1x16xf32> to vector<16xf32>
        %add3A_922 = arith.addf %scan3A_845, %get3A_921 : vector<16xf32>
        %add3A_923 = arith.constant 50 : i32
        %add3A_924 = arith.addi %add3A_923, %scan3A_832 : i32
        %get3A_925 = arith.index_cast %add3A_924 : i32 to index
        %get3A_926 = arith.constant 80 : index
        %get3A_927 = tpu.vector_load %arg7[%get3A_925, %get3A_926] {strides = array<i32>} : memref<100x128xf32, #tpu.memory_space<vmem>>, vector<1x16xf32>,
        %get3A_928 = vector.shape_cast %get3A_927 : vector<1x16xf32> to vector<16xf32>
        %add3A_929 = arith.addf %scan3A_846, %get3A_928 : vector<16xf32>
        %add3A_930 = arith.constant 50 : i32
        %add3A_931 = arith.addi %add3A_930, %scan3A_832 : i32
        %get3A_932 = arith.index_cast %add3A_931 : i32 to index
        %get3A_933 = arith.constant 96 : index
        %get3A_934 = tpu.vector_load %arg7[%get3A_932, %get3A_933] {strides = array<i32>} : memref<100x128xf32, #tpu.memory_space<vmem>>, vector<1x16xf32>,
        %get3A_935 = vector.shape_cast %get3A_934 : vector<1x16xf32> to vector<16xf32>
        %add3A_936 = arith.addf %scan3A_847, %get3A_935 : vector<16xf32>
        %add3A_937 = arith.constant 50 : i32
        %add3A_938 = arith.addi %add3A_937, %scan3A_832 : i32
        %get3A_939 = arith.index_cast %add3A_938 : i32 to index
        %get3A_940 = arith.constant 112 : index
        %get3A_941 = tpu.vector_load %arg7[%get3A_939, %get3A_940] {strides = array<i32>} : memref<100x128xf32, #tpu.memory_space<vmem>>, vector<1x16xf32>,
        %get3A_942 = vector.shape_cast %get3A_941 : vector<1x16xf32> to vector<16xf32>
        %add3A_943 = arith.addf %scan3A_848, %get3A_942 : vector<16xf32>
        scf.yield %add3A_852, %add3A_857, %add3A_862, %add3A_867, %add3A_872, %add3A_877, %add3A_882, %add3A_887, %add3A_894, %add3A_901, %add3A_908, %add3A_915, %add3A_922, %add3A_929, %add3A_936, %add3A_943 : vector<16xf32>, vector<16xf32>, vector<16xf32>, vector<16xf32>, vector<16xf32>, vector<16xf32>, vector<16xf32>, vector<16xf32>, vector<16xf32>, vector<16xf32>, vector<16xf32>, vector<16xf32>, vector<16xf32>, vector<16xf32>, vector<16xf32>, vector<16xf32>
      }
      %scan3A_265 = arith.constant 50 : i32
      %mul3A_266 = vector.broadcast %scan3A : f32 to vector<16xf32>
      %mul3A_267 = arith.mulf %scan3A_264#0, %mul3A_266 : vector<16xf32>
      %mul3A_268 = arith.constant 2 : i32
      %mul3A_269 = arith.muli %mul3A_268, %add3A_237 : i32
      %swap3A_270 = arith.index_cast %mul3A_269 : i32 to index
      %swap3A_271 = arith.constant 0 : index
      %swap3A_272 = tpu.vector_load %arg10[%swap3A_270, %swap3A_271] {strides = array<i32>} : memref<128x128xf32, #tpu.memory_space<vmem>>, vector<1x16xf32>,
      %swap3A_273 = vector.shape_cast %swap3A_272 : vector<1x16xf32> to vector<16xf32>
      %swap3A_274 = vector.shape_cast %mul3A_267 : vector<16xf32> to vector<1x16xf32>
      tpu.vector_store %arg10[%swap3A_270, %swap3A_271], %swap3A_274 {strides = array<i32>} : memref<128x128xf32, #tpu.memory_space<vmem>>, vector<1x16xf32>,
      %mul3A_275 = vector.broadcast %scan3A : f32 to vector<16xf32>
      %mul3A_276 = arith.mulf %scan3A_264#8, %mul3A_275 : vector<16xf32>
      %mul3A_277 = arith.constant 2 : i32
      %mul3A_278 = arith.muli %mul3A_277, %add3A_237 : i32
      %add3A_279 = arith.constant 1 : i32
      %add3A_280 = arith.addi %mul3A_278, %add3A_279 : i32
      %swap3A_281 = arith.index_cast %add3A_280 : i32 to index
      %swap3A_282 = arith.constant 0 : index
      %swap3A_283 = tpu.vector_load %arg10[%swap3A_281, %swap3A_282] {strides = array<i32>} : memref<128x128xf32, #tpu.memory_space<vmem>>, vector<1x16xf32>,
      %swap3A_284 = vector.shape_cast %swap3A_283 : vector<1x16xf32> to vector<16xf32>
      %swap3A_285 = vector.shape_cast %mul3A_276 : vector<16xf32> to vector<1x16xf32>
      tpu.vector_store %arg10[%swap3A_281, %swap3A_282], %swap3A_285 {strides = array<i32>} : memref<128x128xf32, #tpu.memory_space<vmem>>, vector<1x16xf32>,
      %mul3A_286 = vector.broadcast %scan3A : f32 to vector<16xf32>
      %mul3A_287 = arith.mulf %scan3A_264#1, %mul3A_286 : vector<16xf32>
      %mul3A_288 = arith.constant 2 : i32
      %mul3A_289 = arith.muli %mul3A_288, %add3A_237 : i32
      %swap3A_290 = arith.index_cast %mul3A_289 : i32 to index
      %swap3A_291 = arith.constant 16 : index
      %swap3A_292 = tpu.vector_load %arg10[%swap3A_290, %swap3A_291] {strides = array<i32>} : memref<128x128xf32, #tpu.memory_space<vmem>>, vector<1x16xf32>,
      %swap3A_293 = vector.shape_cast %swap3A_292 : vector<1x16xf32> to vector<16xf32>
      %swap3A_294 = vector.shape_cast %mul3A_287 : vector<16xf32> to vector<1x16xf32>
      tpu.vector_store %arg10[%swap3A_290, %swap3A_291], %swap3A_294 {strides = array<i32>} : memref<128x128xf32, #tpu.memory_space<vmem>>, vector<1x16xf32>,
      %mul3A_295 = vector.broadcast %scan3A : f32 to vector<16xf32>
      %mul3A_296 = arith.mulf %scan3A_264#9, %mul3A_295 : vector<16xf32>
      %mul3A_297 = arith.constant 2 : i32
      %mul3A_298 = arith.muli %mul3A_297, %add3A_237 : i32
      %add3A_299 = arith.constant 1 : i32
      %add3A_300 = arith.addi %mul3A_298, %add3A_299 : i32
      %swap3A_301 = arith.index_cast %add3A_300 : i32 to index
      %swap3A_302 = arith.constant 16 : index
      %swap3A_303 = tpu.vector_load %arg10[%swap3A_301, %swap3A_302] {strides = array<i32>} : memref<128x128xf32, #tpu.memory_space<vmem>>, vector<1x16xf32>,
      %swap3A_304 = vector.shape_cast %swap3A_303 : vector<1x16xf32> to vector<16xf32>
      %swap3A_305 = vector.shape_cast %mul3A_296 : vector<16xf32> to vector<1x16xf32>
      tpu.vector_store %arg10[%swap3A_301, %swap3A_302], %swap3A_305 {strides = array<i32>} : memref<128x128xf32, #tpu.memory_space<vmem>>, vector<1x16xf32>,
      %mul3A_306 = vector.broadcast %scan3A : f32 to vector<16xf32>
      %mul3A_307 = arith.mulf %scan3A_264#2, %mul3A_306 : vector<16xf32>
      %mul3A_308 = arith.constant 2 : i32
      %mul3A_309 = arith.muli %mul3A_308, %add3A_237 : i32
      %swap3A_310 = arith.index_cast %mul3A_309 : i32 to index
      %swap3A_311 = arith.constant 32 : index
      %swap3A_312 = tpu.vector_load %arg10[%swap3A_310, %swap3A_311] {strides = array<i32>} : memref<128x128xf32, #tpu.memory_space<vmem>>, vector<1x16xf32>,
      %swap3A_313 = vector.shape_cast %swap3A_312 : vector<1x16xf32> to vector<16xf32>
      %swap3A_314 = vector.shape_cast %mul3A_307 : vector<16xf32> to vector<1x16xf32>
      tpu.vector_store %arg10[%swap3A_310, %swap3A_311], %swap3A_314 {strides = array<i32>} : memref<128x128xf32, #tpu.memory_space<vmem>>, vector<1x16xf32>,
      %mul3A_315 = vector.broadcast %scan3A : f32 to vector<16xf32>
      %mul3A_316 = arith.mulf %scan3A_264#10, %mul3A_315 : vector<16xf32>
      %mul3A_317 = arith.constant 2 : i32
      %mul3A_318 = arith.muli %mul3A_317, %add3A_237 : i32
      %add3A_319 = arith.constant 1 : i32
      %add3A_320 = arith.addi %mul3A_318, %add3A_319 : i32
      %swap3A_321 = arith.index_cast %add3A_320 : i32 to index
      %swap3A_322 = arith.constant 32 : index
      %swap3A_323 = tpu.vector_load %arg10[%swap3A_321, %swap3A_322] {strides = array<i32>} : memref<128x128xf32, #tpu.memory_space<vmem>>, vector<1x16xf32>,
      %swap3A_324 = vector.shape_cast %swap3A_323 : vector<1x16xf32> to vector<16xf32>
      %swap3A_325 = vector.shape_cast %mul3A_316 : vector<16xf32> to vector<1x16xf32>
      tpu.vector_store %arg10[%swap3A_321, %swap3A_322], %swap3A_325 {strides = array<i32>} : memref<128x128xf32, #tpu.memory_space<vmem>>, vector<1x16xf32>,
      %mul3A_326 = vector.broadcast %scan3A : f32 to vector<16xf32>
      %mul3A_327 = arith.mulf %scan3A_264#3, %mul3A_326 : vector<16xf32>
      %mul3A_328 = arith.constant 2 : i32
      %mul3A_329 = arith.muli %mul3A_328, %add3A_237 : i32
      %swap3A_330 = arith.index_cast %mul3A_329 : i32 to index
      %swap3A_331 = arith.constant 48 : index
      %swap3A_332 = tpu.vector_load %arg10[%swap3A_330, %swap3A_331] {strides = array<i32>} : memref<128x128xf32, #tpu.memory_space<vmem>>, vector<1x16xf32>,
      %swap3A_333 = vector.shape_cast %swap3A_332 : vector<1x16xf32> to vector<16xf32>
      %swap3A_334 = vector.shape_cast %mul3A_327 : vector<16xf32> to vector<1x16xf32>
      tpu.vector_store %arg10[%swap3A_330, %swap3A_331], %swap3A_334 {strides = array<i32>} : memref<128x128xf32, #tpu.memory_space<vmem>>, vector<1x16xf32>,
      %mul3A_335 = vector.broadcast %scan3A : f32 to vector<16xf32>
      %mul3A_336 = arith.mulf %scan3A_264#11, %mul3A_335 : vector<16xf32>
      %mul3A_337 = arith.constant 2 : i32
      %mul3A_338 = arith.muli %mul3A_337, %add3A_237 : i32
      %add3A_339 = arith.constant 1 : i32
      %add3A_340 = arith.addi %mul3A_338, %add3A_339 : i32
      %swap3A_341 = arith.index_cast %add3A_340 : i32 to index
      %swap3A_342 = arith.constant 48 : index
      %swap3A_343 = tpu.vector_load %arg10[%swap3A_341, %swap3A_342] {strides = array<i32>} : memref<128x128xf32, #tpu.memory_space<vmem>>, vector<1x16xf32>,
      %swap3A_344 = vector.shape_cast %swap3A_343 : vector<1x16xf32> to vector<16xf32>
      %swap3A_345 = vector.shape_cast %mul3A_336 : vector<16xf32> to vector<1x16xf32>
      tpu.vector_store %arg10[%swap3A_341, %swap3A_342], %swap3A_345 {strides = array<i32>} : memref<128x128xf32, #tpu.memory_space<vmem>>, vector<1x16xf32>,
      %mul3A_346 = vector.broadcast %scan3A : f32 to vector<16xf32>
      %mul3A_347 = arith.mulf %scan3A_264#4, %mul3A_346 : vector<16xf32>
      %mul3A_348 = arith.constant 2 : i32
      %mul3A_349 = arith.muli %mul3A_348, %add3A_237 : i32
      %swap3A_350 = arith.index_cast %mul3A_349 : i32 to index
      %swap3A_351 = arith.constant 64 : index
      %swap3A_352 = tpu.vector_load %arg10[%swap3A_350, %swap3A_351] {strides = array<i32>} : memref<128x128xf32, #tpu.memory_space<vmem>>, vector<1x16xf32>,
      %swap3A_353 = vector.shape_cast %swap3A_352 : vector<1x16xf32> to vector<16xf32>
      %swap3A_354 = vector.shape_cast %mul3A_347 : vector<16xf32> to vector<1x16xf32>
      tpu.vector_store %arg10[%swap3A_350, %swap3A_351], %swap3A_354 {strides = array<i32>} : memref<128x128xf32, #tpu.memory_space<vmem>>, vector<1x16xf32>,
      %mul3A_355 = vector.broadcast %scan3A : f32 to vector<16xf32>
      %mul3A_356 = arith.mulf %scan3A_264#12, %mul3A_355 : vector<16xf32>
      %mul3A_357 = arith.constant 2 : i32
      %mul3A_358 = arith.muli %mul3A_357, %add3A_237 : i32
      %add3A_359 = arith.constant 1 : i32
      %add3A_360 = arith.addi %mul3A_358, %add3A_359 : i32
      %swap3A_361 = arith.index_cast %add3A_360 : i32 to index
      %swap3A_362 = arith.constant 64 : index
      %swap3A_363 = tpu.vector_load %arg10[%swap3A_361, %swap3A_362] {strides = array<i32>} : memref<128x128xf32, #tpu.memory_space<vmem>>, vector<1x16xf32>,
      %swap3A_364 = vector.shape_cast %swap3A_363 : vector<1x16xf32> to vector<16xf32>
      %swap3A_365 = vector.shape_cast %mul3A_356 : vector<16xf32> to vector<1x16xf32>
      tpu.vector_store %arg10[%swap3A_361, %swap3A_362], %swap3A_365 {strides = array<i32>} : memref<128x128xf32, #tpu.memory_space<vmem>>, vector<1x16xf32>,
      %mul3A_366 = vector.broadcast %scan3A : f32 to vector<16xf32>
      %mul3A_367 = arith.mulf %scan3A_264#5, %mul3A_366 : vector<16xf32>
      %mul3A_368 = arith.constant 2 : i32
      %mul3A_369 = arith.muli %mul3A_368, %add3A_237 : i32
      %swap3A_370 = arith.index_cast %mul3A_369 : i32 to index
      %swap3A_371 = arith.constant 80 : index
      %swap3A_372 = tpu.vector_load %arg10[%swap3A_370, %swap3A_371] {strides = array<i32>} : memref<128x128xf32, #tpu.memory_space<vmem>>, vector<1x16xf32>,
      %swap3A_373 = vector.shape_cast %swap3A_372 : vector<1x16xf32> to vector<16xf32>
      %swap3A_374 = vector.shape_cast %mul3A_367 : vector<16xf32> to vector<1x16xf32>
      tpu.vector_store %arg10[%swap3A_370, %swap3A_371], %swap3A_374 {strides = array<i32>} : memref<128x128xf32, #tpu.memory_space<vmem>>, vector<1x16xf32>,
      %mul3A_375 = vector.broadcast %scan3A : f32 to vector<16xf32>
      %mul3A_376 = arith.mulf %scan3A_264#13, %mul3A_375 : vector<16xf32>
      %mul3A_377 = arith.constant 2 : i32
      %mul3A_378 = arith.muli %mul3A_377, %add3A_237 : i32
      %add3A_379 = arith.constant 1 : i32
      %add3A_380 = arith.addi %mul3A_378, %add3A_379 : i32
      %swap3A_381 = arith.index_cast %add3A_380 : i32 to index
      %swap3A_382 = arith.constant 80 : index
      %swap3A_383 = tpu.vector_load %arg10[%swap3A_381, %swap3A_382] {strides = array<i32>} : memref<128x128xf32, #tpu.memory_space<vmem>>, vector<1x16xf32>,
      %swap3A_384 = vector.shape_cast %swap3A_383 : vector<1x16xf32> to vector<16xf32>
      %swap3A_385 = vector.shape_cast %mul3A_376 : vector<16xf32> to vector<1x16xf32>
      tpu.vector_store %arg10[%swap3A_381, %swap3A_382], %swap3A_385 {strides = array<i32>} : memref<128x128xf32, #tpu.memory_space<vmem>>, vector<1x16xf32>,
      %mul3A_386 = vector.broadcast %scan3A : f32 to vector<16xf32>
      %mul3A_387 = arith.mulf %scan3A_264#6, %mul3A_386 : vector<16xf32>
      %mul3A_388 = arith.constant 2 : i32
      %mul3A_389 = arith.muli %mul3A_388, %add3A_237 : i32
      %swap3A_390 = arith.index_cast %mul3A_389 : i32 to index
      %swap3A_391 = arith.constant 96 : index
      %swap3A_392 = tpu.vector_load %arg10[%swap3A_390, %swap3A_391] {strides = array<i32>} : memref<128x128xf32, #tpu.memory_space<vmem>>, vector<1x16xf32>,
      %swap3A_393 = vector.shape_cast %swap3A_392 : vector<1x16xf32> to vector<16xf32>
      %swap3A_394 = vector.shape_cast %mul3A_387 : vector<16xf32> to vector<1x16xf32>
      tpu.vector_store %arg10[%swap3A_390, %swap3A_391], %swap3A_394 {strides = array<i32>} : memref<128x128xf32, #tpu.memory_space<vmem>>, vector<1x16xf32>,
      %mul3A_395 = vector.broadcast %scan3A : f32 to vector<16xf32>
      %mul3A_396 = arith.mulf %scan3A_264#14, %mul3A_395 : vector<16xf32>
      %mul3A_397 = arith.constant 2 : i32
      %mul3A_398 = arith.muli %mul3A_397, %add3A_237 : i32
      %add3A_399 = arith.constant 1 : i32
      %add3A_400 = arith.addi %mul3A_398, %add3A_399 : i32
      %swap3A_401 = arith.index_cast %add3A_400 : i32 to index
      %swap3A_402 = arith.constant 96 : index
      %swap3A_403 = tpu.vector_load %arg10[%swap3A_401, %swap3A_402] {strides = array<i32>} : memref<128x128xf32, #tpu.memory_space<vmem>>, vector<1x16xf32>,
      %swap3A_404 = vector.shape_cast %swap3A_403 : vector<1x16xf32> to vector<16xf32>
      %swap3A_405 = vector.shape_cast %mul3A_396 : vector<16xf32> to vector<1x16xf32>
      tpu.vector_store %arg10[%swap3A_401, %swap3A_402], %swap3A_405 {strides = array<i32>} : memref<128x128xf32, #tpu.memory_space<vmem>>, vector<1x16xf32>,
      %mul3A_406 = vector.broadcast %scan3A : f32 to vector<16xf32>
      %mul3A_407 = arith.mulf %scan3A_264#7, %mul3A_406 : vector<16xf32>
      %mul3A_408 = arith.constant 2 : i32
      %mul3A_409 = arith.muli %mul3A_408, %add3A_237 : i32
      %swap3A_410 = arith.index_cast %mul3A_409 : i32 to index
      %swap3A_411 = arith.constant 112 : index
      %swap3A_412 = tpu.vector_load %arg10[%swap3A_410, %swap3A_411] {strides = array<i32>} : memref<128x128xf32, #tpu.memory_space<vmem>>, vector<1x16xf32>,
      %swap3A_413 = vector.shape_cast %swap3A_412 : vector<1x16xf32> to vector<16xf32>
      %swap3A_414 = vector.shape_cast %mul3A_407 : vector<16xf32> to vector<1x16xf32>
      tpu.vector_store %arg10[%swap3A_410, %swap3A_411], %swap3A_414 {strides = array<i32>} : memref<128x128xf32, #tpu.memory_space<vmem>>, vector<1x16xf32>,
      %mul3A_415 = vector.broadcast %scan3A : f32 to vector<16xf32>
      %mul3A_416 = arith.mulf %scan3A_264#15, %mul3A_415 : vector<16xf32>
      %mul3A_417 = arith.constant 2 : i32
      %mul3A_418 = arith.muli %mul3A_417, %add3A_237 : i32
      %add3A_419 = arith.constant 1 : i32
      %add3A_420 = arith.addi %mul3A_418, %add3A_419 : i32
      %swap3A_421 = arith.index_cast %add3A_420 : i32 to index
      %swap3A_422 = arith.constant 112 : index
      %swap3A_423 = tpu.vector_load %arg10[%swap3A_421, %swap3A_422] {strides = array<i32>} : memref<128x128xf32, #tpu.memory_space<vmem>>, vector<1x16xf32>,
      %swap3A_424 = vector.shape_cast %swap3A_423 : vector<1x16xf32> to vector<16xf32>
      %swap3A_425 = vector.shape_cast %mul3A_416 : vector<16xf32> to vector<1x16xf32>
      tpu.vector_store %arg10[%swap3A_421, %swap3A_422], %swap3A_425 {strides = array<i32>} : memref<128x128xf32, #tpu.memory_space<vmem>>, vector<1x16xf32>,
      %add3A_426 = arith.constant 4 : i32
      %add3A_427 = arith.addi %add3A_237, %add3A_426 : i32
      %lt3A_428 = arith.constant 64 : i32
      %lt3A_429 = arith.cmpi slt, %add3A_427, %lt3A_428 : i32
      %convert_element_type3A_430 = arith.extui %lt3A_429 : i1 to i32
      %cond3A_431 = arith.constant 0 : i32
      %cond3A_432 = arith.cmpi ne, %convert_element_type3A_430, %cond3A_431 : i32
      scf.if %cond3A_432 {
        %add3A_832 = arith.constant 4 : i32
        %add3A_833 = arith.addi %add3A_237, %add3A_832 : i32
        %dma_start3A_834 = arith.constant 0 : i32
        %dma_start3A_835 = tpu.memref_slice %arg5[%add3A_833, %dma_start3A_834] : memref<64x100xi32, #tpu.memory_space<vmem>> -> memref<1x100xi32, #tpu.memory_space<vmem>>
        %dma_start3A_836 = tpu.memref_squeeze %dma_start3A_835 : memref<1x100xi32, #tpu.memory_space<vmem>> -> memref<100xi32, #tpu.memory_space<vmem>>
        %dma_start3A_837 = arith.constant 0 : i32
        %dma_start3A_838 = arith.constant 0 : i32
        %dma_start3A_839 = tpu.memref_slice %arg3[%dma_start3A_837, %dma_start3A_838] : memref<100000x128xf32, #tpu.memory_space<hbm>> -> memref<100000x128xf32, #tpu.memory_space<hbm>>
        tpu.enqueue_indirect_dma source(%dma_start3A_839 : memref<100000x128xf32, #tpu.memory_space<hbm>>) target(%arg7 : memref<100x128xf32, #tpu.memory_space<vmem>>) offsets(%dma_start3A_836 : memref<100xi32, #tpu.memory_space<vmem>>) semaphore(%arg12 : memref<!tpu.dma_semaphore, #tpu.memory_space<semaphore_mem>>)
      } else {
      }
      %mul3A_433 = arith.constant 4 : i32
      %mul3A_434 = arith.muli %scan3A_39, %mul3A_433 : i32
      %add3A_435 = arith.constant 2 : i32
      %add3A_436 = arith.addi %mul3A_434, %add3A_435 : i32
      %dma_wait3A_437 = arith.constant 0 : i32
      %dma_wait3A_438 = tpu.memref_slice %arg5[%add3A_436, %dma_wait3A_437] : memref<64x100xi32, #tpu.memory_space<vmem>> -> memref<1x100xi32, #tpu.memory_space<vmem>>
      %dma_wait3A_439 = tpu.memref_squeeze %dma_wait3A_438 : memref<1x100xi32, #tpu.memory_space<vmem>> -> memref<100xi32, #tpu.memory_space<vmem>>
      %dma_wait3A_440 = arith.constant 0 : i32
      %dma_wait3A_441 = arith.constant 0 : i32
      %dma_wait3A_442 = tpu.memref_slice %arg3[%dma_wait3A_440, %dma_wait3A_441] : memref<100000x128xf32, #tpu.memory_space<hbm>> -> memref<100000x128xf32, #tpu.memory_space<hbm>>
      tpu.wait_indirect_dma semaphore(%arg13 : memref<!tpu.dma_semaphore, #tpu.memory_space<semaphore_mem>>) src(%dma_wait3A_442 : memref<100000x128xf32, #tpu.memory_space<hbm>>) dst(%arg8 : memref<100x128xf32, #tpu.memory_space<vmem>>)
      %broadcast_in_dim3A_443 = arith.constant 0.000000e+00 : f32
      %broadcast_in_dim3A_444 = vector.broadcast %broadcast_in_dim3A_443 : f32 to vector<16xf32>
      %broadcast_in_dim3A_445 = arith.constant 0.000000e+00 : f32
      %broadcast_in_dim3A_446 = vector.broadcast %broadcast_in_dim3A_445 : f32 to vector<16xf32>
      %broadcast_in_dim3A_447 = arith.constant 0.000000e+00 : f32
      %broadcast_in_dim3A_448 = vector.broadcast %broadcast_in_dim3A_447 : f32 to vector<16xf32>
      %broadcast_in_dim3A_449 = arith.constant 0.000000e+00 : f32
      %broadcast_in_dim3A_450 = vector.broadcast %broadcast_in_dim3A_449 : f32 to vector<16xf32>
      %broadcast_in_dim3A_451 = arith.constant 0.000000e+00 : f32
      %broadcast_in_dim3A_452 = vector.broadcast %broadcast_in_dim3A_451 : f32 to vector<16xf32>
      %broadcast_in_dim3A_453 = arith.constant 0.000000e+00 : f32
      %broadcast_in_dim3A_454 = vector.broadcast %broadcast_in_dim3A_453 : f32 to vector<16xf32>
      %broadcast_in_dim3A_455 = arith.constant 0.000000e+00 : f32
      %broadcast_in_dim3A_456 = vector.broadcast %broadcast_in_dim3A_455 : f32 to vector<16xf32>
      %broadcast_in_dim3A_457 = arith.constant 0.000000e+00 : f32
      %broadcast_in_dim3A_458 = vector.broadcast %broadcast_in_dim3A_457 : f32 to vector<16xf32>
      %scan3A_459 = arith.constant 0 : i32
      %scan3A_460 = arith.constant 50 : i32
      %scan3A_461 = arith.addi %scan3A_459, %scan3A_460 : i32
      %scan3A_462 = arith.constant 1 : i32
      %scan3A_463:16 = scf.for %scan3A_832 = %scan3A_459 to %scan3A_461 step %scan3A_462 iter_args(%scan3A_833 = %broadcast_in_dim3A_444, %scan3A_834 = %broadcast_in_dim3A_446, %scan3A_835 = %broadcast_in_dim3A_448, %scan3A_836 = %broadcast_in_dim3A_450, %scan3A_837 = %broadcast_in_dim3A_452, %scan3A_838 = %broadcast_in_dim3A_454, %scan3A_839 = %broadcast_in_dim3A_456, %scan3A_840 = %broadcast_in_dim3A_458, %scan3A_841 = %broadcast_in_dim3A_444, %scan3A_842 = %broadcast_in_dim3A_446, %scan3A_843 = %broadcast_in_dim3A_448, %scan3A_844 = %broadcast_in_dim3A_450, %scan3A_845 = %broadcast_in_dim3A_452, %scan3A_846 = %broadcast_in_dim3A_454, %scan3A_847 = %broadcast_in_dim3A_456, %scan3A_848 = %broadcast_in_dim3A_458) -> (vector<16xf32>, vector<16xf32>, vector<16xf32>, vector<16xf32>, vector<16xf32>, vector<16xf32>, vector<16xf32>, vector<16xf32>, vector<16xf32>, vector<16xf32>, vector<16xf32>, vector<16xf32>, vector<16xf32>, vector<16xf32>, vector<16xf32>, vector<16xf32>)  : i32 {
        %get3A = arith.index_cast %scan3A_832 : i32 to index
        %get3A_849 = arith.constant 0 : index
        %get3A_850 = tpu.vector_load %arg8[%get3A, %get3A_849] {strides = array<i32>} : memref<100x128xf32, #tpu.memory_space<vmem>>, vector<1x16xf32>,
        %get3A_851 = vector.shape_cast %get3A_850 : vector<1x16xf32> to vector<16xf32>
        %add3A_852 = arith.addf %scan3A_833, %get3A_851 : vector<16xf32>
        %get3A_853 = arith.index_cast %scan3A_832 : i32 to index
        %get3A_854 = arith.constant 16 : index
        %get3A_855 = tpu.vector_load %arg8[%get3A_853, %get3A_854] {strides = array<i32>} : memref<100x128xf32, #tpu.memory_space<vmem>>, vector<1x16xf32>,
        %get3A_856 = vector.shape_cast %get3A_855 : vector<1x16xf32> to vector<16xf32>
        %add3A_857 = arith.addf %scan3A_834, %get3A_856 : vector<16xf32>
        %get3A_858 = arith.index_cast %scan3A_832 : i32 to index
        %get3A_859 = arith.constant 32 : index
        %get3A_860 = tpu.vector_load %arg8[%get3A_858, %get3A_859] {strides = array<i32>} : memref<100x128xf32, #tpu.memory_space<vmem>>, vector<1x16xf32>,
        %get3A_861 = vector.shape_cast %get3A_860 : vector<1x16xf32> to vector<16xf32>
        %add3A_862 = arith.addf %scan3A_835, %get3A_861 : vector<16xf32>
        %get3A_863 = arith.index_cast %scan3A_832 : i32 to index
        %get3A_864 = arith.constant 48 : index
        %get3A_865 = tpu.vector_load %arg8[%get3A_863, %get3A_864] {strides = array<i32>} : memref<100x128xf32, #tpu.memory_space<vmem>>, vector<1x16xf32>,
        %get3A_866 = vector.shape_cast %get3A_865 : vector<1x16xf32> to vector<16xf32>
        %add3A_867 = arith.addf %scan3A_836, %get3A_866 : vector<16xf32>
        %get3A_868 = arith.index_cast %scan3A_832 : i32 to index
        %get3A_869 = arith.constant 64 : index
        %get3A_870 = tpu.vector_load %arg8[%get3A_868, %get3A_869] {strides = array<i32>} : memref<100x128xf32, #tpu.memory_space<vmem>>, vector<1x16xf32>,
        %get3A_871 = vector.shape_cast %get3A_870 : vector<1x16xf32> to vector<16xf32>
        %add3A_872 = arith.addf %scan3A_837, %get3A_871 : vector<16xf32>
        %get3A_873 = arith.index_cast %scan3A_832 : i32 to index
        %get3A_874 = arith.constant 80 : index
        %get3A_875 = tpu.vector_load %arg8[%get3A_873, %get3A_874] {strides = array<i32>} : memref<100x128xf32, #tpu.memory_space<vmem>>, vector<1x16xf32>,
        %get3A_876 = vector.shape_cast %get3A_875 : vector<1x16xf32> to vector<16xf32>
        %add3A_877 = arith.addf %scan3A_838, %get3A_876 : vector<16xf32>
        %get3A_878 = arith.index_cast %scan3A_832 : i32 to index
        %get3A_879 = arith.constant 96 : index
        %get3A_880 = tpu.vector_load %arg8[%get3A_878, %get3A_879] {strides = array<i32>} : memref<100x128xf32, #tpu.memory_space<vmem>>, vector<1x16xf32>,
        %get3A_881 = vector.shape_cast %get3A_880 : vector<1x16xf32> to vector<16xf32>
        %add3A_882 = arith.addf %scan3A_839, %get3A_881 : vector<16xf32>
        %get3A_883 = arith.index_cast %scan3A_832 : i32 to index
        %get3A_884 = arith.constant 112 : index
        %get3A_885 = tpu.vector_load %arg8[%get3A_883, %get3A_884] {strides = array<i32>} : memref<100x128xf32, #tpu.memory_space<vmem>>, vector<1x16xf32>,
        %get3A_886 = vector.shape_cast %get3A_885 : vector<1x16xf32> to vector<16xf32>
        %add3A_887 = arith.addf %scan3A_840, %get3A_886 : vector<16xf32>
        %add3A_888 = arith.constant 50 : i32
        %add3A_889 = arith.addi %add3A_888, %scan3A_832 : i32
        %get3A_890 = arith.index_cast %add3A_889 : i32 to index
        %get3A_891 = arith.constant 0 : index
        %get3A_892 = tpu.vector_load %arg8[%get3A_890, %get3A_891] {strides = array<i32>} : memref<100x128xf32, #tpu.memory_space<vmem>>, vector<1x16xf32>,
        %get3A_893 = vector.shape_cast %get3A_892 : vector<1x16xf32> to vector<16xf32>
        %add3A_894 = arith.addf %scan3A_841, %get3A_893 : vector<16xf32>
        %add3A_895 = arith.constant 50 : i32
        %add3A_896 = arith.addi %add3A_895, %scan3A_832 : i32
        %get3A_897 = arith.index_cast %add3A_896 : i32 to index
        %get3A_898 = arith.constant 16 : index
        %get3A_899 = tpu.vector_load %arg8[%get3A_897, %get3A_898] {strides = array<i32>} : memref<100x128xf32, #tpu.memory_space<vmem>>, vector<1x16xf32>,
        %get3A_900 = vector.shape_cast %get3A_899 : vector<1x16xf32> to vector<16xf32>
        %add3A_901 = arith.addf %scan3A_842, %get3A_900 : vector<16xf32>
        %add3A_902 = arith.constant 50 : i32
        %add3A_903 = arith.addi %add3A_902, %scan3A_832 : i32
        %get3A_904 = arith.index_cast %add3A_903 : i32 to index
        %get3A_905 = arith.constant 32 : index
        %get3A_906 = tpu.vector_load %arg8[%get3A_904, %get3A_905] {strides = array<i32>} : memref<100x128xf32, #tpu.memory_space<vmem>>, vector<1x16xf32>,
        %get3A_907 = vector.shape_cast %get3A_906 : vector<1x16xf32> to vector<16xf32>
        %add3A_908 = arith.addf %scan3A_843, %get3A_907 : vector<16xf32>
        %add3A_909 = arith.constant 50 : i32
        %add3A_910 = arith.addi %add3A_909, %scan3A_832 : i32
        %get3A_911 = arith.index_cast %add3A_910 : i32 to index
        %get3A_912 = arith.constant 48 : index
        %get3A_913 = tpu.vector_load %arg8[%get3A_911, %get3A_912] {strides = array<i32>} : memref<100x128xf32, #tpu.memory_space<vmem>>, vector<1x16xf32>,
        %get3A_914 = vector.shape_cast %get3A_913 : vector<1x16xf32> to vector<16xf32>
        %add3A_915 = arith.addf %scan3A_844, %get3A_914 : vector<16xf32>
        %add3A_916 = arith.constant 50 : i32
        %add3A_917 = arith.addi %add3A_916, %scan3A_832 : i32
        %get3A_918 = arith.index_cast %add3A_917 : i32 to index
        %get3A_919 = arith.constant 64 : index
        %get3A_920 = tpu.vector_load %arg8[%get3A_918, %get3A_919] {strides = array<i32>} : memref<100x128xf32, #tpu.memory_space<vmem>>, vector<1x16xf32>,
        %get3A_921 = vector.shape_cast %get3A_920 : vector<1x16xf32> to vector<16xf32>
        %add3A_922 = arith.addf %scan3A_845, %get3A_921 : vector<16xf32>
        %add3A_923 = arith.constant 50 : i32
        %add3A_924 = arith.addi %add3A_923, %scan3A_832 : i32
        %get3A_925 = arith.index_cast %add3A_924 : i32 to index
        %get3A_926 = arith.constant 80 : index
        %get3A_927 = tpu.vector_load %arg8[%get3A_925, %get3A_926] {strides = array<i32>} : memref<100x128xf32, #tpu.memory_space<vmem>>, vector<1x16xf32>,
        %get3A_928 = vector.shape_cast %get3A_927 : vector<1x16xf32> to vector<16xf32>
        %add3A_929 = arith.addf %scan3A_846, %get3A_928 : vector<16xf32>
        %add3A_930 = arith.constant 50 : i32
        %add3A_931 = arith.addi %add3A_930, %scan3A_832 : i32
        %get3A_932 = arith.index_cast %add3A_931 : i32 to index
        %get3A_933 = arith.constant 96 : index
        %get3A_934 = tpu.vector_load %arg8[%get3A_932, %get3A_933] {strides = array<i32>} : memref<100x128xf32, #tpu.memory_space<vmem>>, vector<1x16xf32>,
        %get3A_935 = vector.shape_cast %get3A_934 : vector<1x16xf32> to vector<16xf32>
        %add3A_936 = arith.addf %scan3A_847, %get3A_935 : vector<16xf32>
        %add3A_937 = arith.constant 50 : i32
        %add3A_938 = arith.addi %add3A_937, %scan3A_832 : i32
        %get3A_939 = arith.index_cast %add3A_938 : i32 to index
        %get3A_940 = arith.constant 112 : index
        %get3A_941 = tpu.vector_load %arg8[%get3A_939, %get3A_940] {strides = array<i32>} : memref<100x128xf32, #tpu.memory_space<vmem>>, vector<1x16xf32>,
        %get3A_942 = vector.shape_cast %get3A_941 : vector<1x16xf32> to vector<16xf32>
        %add3A_943 = arith.addf %scan3A_848, %get3A_942 : vector<16xf32>
        scf.yield %add3A_852, %add3A_857, %add3A_862, %add3A_867, %add3A_872, %add3A_877, %add3A_882, %add3A_887, %add3A_894, %add3A_901, %add3A_908, %add3A_915, %add3A_922, %add3A_929, %add3A_936, %add3A_943 : vector<16xf32>, vector<16xf32>, vector<16xf32>, vector<16xf32>, vector<16xf32>, vector<16xf32>, vector<16xf32>, vector<16xf32>, vector<16xf32>, vector<16xf32>, vector<16xf32>, vector<16xf32>, vector<16xf32>, vector<16xf32>, vector<16xf32>, vector<16xf32>
      }
      %scan3A_464 = arith.constant 50 : i32
      %mul3A_465 = vector.broadcast %scan3A : f32 to vector<16xf32>
      %mul3A_466 = arith.mulf %scan3A_463#0, %mul3A_465 : vector<16xf32>
      %mul3A_467 = arith.constant 2 : i32
      %mul3A_468 = arith.muli %mul3A_467, %add3A_436 : i32
      %swap3A_469 = arith.index_cast %mul3A_468 : i32 to index
      %swap3A_470 = arith.constant 0 : index
      %swap3A_471 = tpu.vector_load %arg10[%swap3A_469, %swap3A_470] {strides = array<i32>} : memref<128x128xf32, #tpu.memory_space<vmem>>, vector<1x16xf32>,
      %swap3A_472 = vector.shape_cast %swap3A_471 : vector<1x16xf32> to vector<16xf32>
      %swap3A_473 = vector.shape_cast %mul3A_466 : vector<16xf32> to vector<1x16xf32>
      tpu.vector_store %arg10[%swap3A_469, %swap3A_470], %swap3A_473 {strides = array<i32>} : memref<128x128xf32, #tpu.memory_space<vmem>>, vector<1x16xf32>,
      %mul3A_474 = vector.broadcast %scan3A : f32 to vector<16xf32>
      %mul3A_475 = arith.mulf %scan3A_463#8, %mul3A_474 : vector<16xf32>
      %mul3A_476 = arith.constant 2 : i32
      %mul3A_477 = arith.muli %mul3A_476, %add3A_436 : i32
      %add3A_478 = arith.constant 1 : i32
      %add3A_479 = arith.addi %mul3A_477, %add3A_478 : i32
      %swap3A_480 = arith.index_cast %add3A_479 : i32 to index
      %swap3A_481 = arith.constant 0 : index
      %swap3A_482 = tpu.vector_load %arg10[%swap3A_480, %swap3A_481] {strides = array<i32>} : memref<128x128xf32, #tpu.memory_space<vmem>>, vector<1x16xf32>,
      %swap3A_483 = vector.shape_cast %swap3A_482 : vector<1x16xf32> to vector<16xf32>
      %swap3A_484 = vector.shape_cast %mul3A_475 : vector<16xf32> to vector<1x16xf32>
      tpu.vector_store %arg10[%swap3A_480, %swap3A_481], %swap3A_484 {strides = array<i32>} : memref<128x128xf32, #tpu.memory_space<vmem>>, vector<1x16xf32>,
      %mul3A_485 = vector.broadcast %scan3A : f32 to vector<16xf32>
      %mul3A_486 = arith.mulf %scan3A_463#1, %mul3A_485 : vector<16xf32>
      %mul3A_487 = arith.constant 2 : i32
      %mul3A_488 = arith.muli %mul3A_487, %add3A_436 : i32
      %swap3A_489 = arith.index_cast %mul3A_488 : i32 to index
      %swap3A_490 = arith.constant 16 : index
      %swap3A_491 = tpu.vector_load %arg10[%swap3A_489, %swap3A_490] {strides = array<i32>} : memref<128x128xf32, #tpu.memory_space<vmem>>, vector<1x16xf32>,
      %swap3A_492 = vector.shape_cast %swap3A_491 : vector<1x16xf32> to vector<16xf32>
      %swap3A_493 = vector.shape_cast %mul3A_486 : vector<16xf32> to vector<1x16xf32>
      tpu.vector_store %arg10[%swap3A_489, %swap3A_490], %swap3A_493 {strides = array<i32>} : memref<128x128xf32, #tpu.memory_space<vmem>>, vector<1x16xf32>,
      %mul3A_494 = vector.broadcast %scan3A : f32 to vector<16xf32>
      %mul3A_495 = arith.mulf %scan3A_463#9, %mul3A_494 : vector<16xf32>
      %mul3A_496 = arith.constant 2 : i32
      %mul3A_497 = arith.muli %mul3A_496, %add3A_436 : i32
      %add3A_498 = arith.constant 1 : i32
      %add3A_499 = arith.addi %mul3A_497, %add3A_498 : i32
      %swap3A_500 = arith.index_cast %add3A_499 : i32 to index
      %swap3A_501 = arith.constant 16 : index
      %swap3A_502 = tpu.vector_load %arg10[%swap3A_500, %swap3A_501] {strides = array<i32>} : memref<128x128xf32, #tpu.memory_space<vmem>>, vector<1x16xf32>,
      %swap3A_503 = vector.shape_cast %swap3A_502 : vector<1x16xf32> to vector<16xf32>
      %swap3A_504 = vector.shape_cast %mul3A_495 : vector<16xf32> to vector<1x16xf32>
      tpu.vector_store %arg10[%swap3A_500, %swap3A_501], %swap3A_504 {strides = array<i32>} : memref<128x128xf32, #tpu.memory_space<vmem>>, vector<1x16xf32>,
      %mul3A_505 = vector.broadcast %scan3A : f32 to vector<16xf32>
      %mul3A_506 = arith.mulf %scan3A_463#2, %mul3A_505 : vector<16xf32>
      %mul3A_507 = arith.constant 2 : i32
      %mul3A_508 = arith.muli %mul3A_507, %add3A_436 : i32
      %swap3A_509 = arith.index_cast %mul3A_508 : i32 to index
      %swap3A_510 = arith.constant 32 : index
      %swap3A_511 = tpu.vector_load %arg10[%swap3A_509, %swap3A_510] {strides = array<i32>} : memref<128x128xf32, #tpu.memory_space<vmem>>, vector<1x16xf32>,
      %swap3A_512 = vector.shape_cast %swap3A_511 : vector<1x16xf32> to vector<16xf32>
      %swap3A_513 = vector.shape_cast %mul3A_506 : vector<16xf32> to vector<1x16xf32>
      tpu.vector_store %arg10[%swap3A_509, %swap3A_510], %swap3A_513 {strides = array<i32>} : memref<128x128xf32, #tpu.memory_space<vmem>>, vector<1x16xf32>,
      %mul3A_514 = vector.broadcast %scan3A : f32 to vector<16xf32>
      %mul3A_515 = arith.mulf %scan3A_463#10, %mul3A_514 : vector<16xf32>
      %mul3A_516 = arith.constant 2 : i32
      %mul3A_517 = arith.muli %mul3A_516, %add3A_436 : i32
      %add3A_518 = arith.constant 1 : i32
      %add3A_519 = arith.addi %mul3A_517, %add3A_518 : i32
      %swap3A_520 = arith.index_cast %add3A_519 : i32 to index
      %swap3A_521 = arith.constant 32 : index
      %swap3A_522 = tpu.vector_load %arg10[%swap3A_520, %swap3A_521] {strides = array<i32>} : memref<128x128xf32, #tpu.memory_space<vmem>>, vector<1x16xf32>,
      %swap3A_523 = vector.shape_cast %swap3A_522 : vector<1x16xf32> to vector<16xf32>
      %swap3A_524 = vector.shape_cast %mul3A_515 : vector<16xf32> to vector<1x16xf32>
      tpu.vector_store %arg10[%swap3A_520, %swap3A_521], %swap3A_524 {strides = array<i32>} : memref<128x128xf32, #tpu.memory_space<vmem>>, vector<1x16xf32>,
      %mul3A_525 = vector.broadcast %scan3A : f32 to vector<16xf32>
      %mul3A_526 = arith.mulf %scan3A_463#3, %mul3A_525 : vector<16xf32>
      %mul3A_527 = arith.constant 2 : i32
      %mul3A_528 = arith.muli %mul3A_527, %add3A_436 : i32
      %swap3A_529 = arith.index_cast %mul3A_528 : i32 to index
      %swap3A_530 = arith.constant 48 : index
      %swap3A_531 = tpu.vector_load %arg10[%swap3A_529, %swap3A_530] {strides = array<i32>} : memref<128x128xf32, #tpu.memory_space<vmem>>, vector<1x16xf32>,
      %swap3A_532 = vector.shape_cast %swap3A_531 : vector<1x16xf32> to vector<16xf32>
      %swap3A_533 = vector.shape_cast %mul3A_526 : vector<16xf32> to vector<1x16xf32>
      tpu.vector_store %arg10[%swap3A_529, %swap3A_530], %swap3A_533 {strides = array<i32>} : memref<128x128xf32, #tpu.memory_space<vmem>>, vector<1x16xf32>,
      %mul3A_534 = vector.broadcast %scan3A : f32 to vector<16xf32>
      %mul3A_535 = arith.mulf %scan3A_463#11, %mul3A_534 : vector<16xf32>
      %mul3A_536 = arith.constant 2 : i32
      %mul3A_537 = arith.muli %mul3A_536, %add3A_436 : i32
      %add3A_538 = arith.constant 1 : i32
      %add3A_539 = arith.addi %mul3A_537, %add3A_538 : i32
      %swap3A_540 = arith.index_cast %add3A_539 : i32 to index
      %swap3A_541 = arith.constant 48 : index
      %swap3A_542 = tpu.vector_load %arg10[%swap3A_540, %swap3A_541] {strides = array<i32>} : memref<128x128xf32, #tpu.memory_space<vmem>>, vector<1x16xf32>,
      %swap3A_543 = vector.shape_cast %swap3A_542 : vector<1x16xf32> to vector<16xf32>
      %swap3A_544 = vector.shape_cast %mul3A_535 : vector<16xf32> to vector<1x16xf32>
      tpu.vector_store %arg10[%swap3A_540, %swap3A_541], %swap3A_544 {strides = array<i32>} : memref<128x128xf32, #tpu.memory_space<vmem>>, vector<1x16xf32>,
      %mul3A_545 = vector.broadcast %scan3A : f32 to vector<16xf32>
      %mul3A_546 = arith.mulf %scan3A_463#4, %mul3A_545 : vector<16xf32>
      %mul3A_547 = arith.constant 2 : i32
      %mul3A_548 = arith.muli %mul3A_547, %add3A_436 : i32
      %swap3A_549 = arith.index_cast %mul3A_548 : i32 to index
      %swap3A_550 = arith.constant 64 : index
      %swap3A_551 = tpu.vector_load %arg10[%swap3A_549, %swap3A_550] {strides = array<i32>} : memref<128x128xf32, #tpu.memory_space<vmem>>, vector<1x16xf32>,
      %swap3A_552 = vector.shape_cast %swap3A_551 : vector<1x16xf32> to vector<16xf32>
      %swap3A_553 = vector.shape_cast %mul3A_546 : vector<16xf32> to vector<1x16xf32>
      tpu.vector_store %arg10[%swap3A_549, %swap3A_550], %swap3A_553 {strides = array<i32>} : memref<128x128xf32, #tpu.memory_space<vmem>>, vector<1x16xf32>,
      %mul3A_554 = vector.broadcast %scan3A : f32 to vector<16xf32>
      %mul3A_555 = arith.mulf %scan3A_463#12, %mul3A_554 : vector<16xf32>
      %mul3A_556 = arith.constant 2 : i32
      %mul3A_557 = arith.muli %mul3A_556, %add3A_436 : i32
      %add3A_558 = arith.constant 1 : i32
      %add3A_559 = arith.addi %mul3A_557, %add3A_558 : i32
      %swap3A_560 = arith.index_cast %add3A_559 : i32 to index
      %swap3A_561 = arith.constant 64 : index
      %swap3A_562 = tpu.vector_load %arg10[%swap3A_560, %swap3A_561] {strides = array<i32>} : memref<128x128xf32, #tpu.memory_space<vmem>>, vector<1x16xf32>,
      %swap3A_563 = vector.shape_cast %swap3A_562 : vector<1x16xf32> to vector<16xf32>
      %swap3A_564 = vector.shape_cast %mul3A_555 : vector<16xf32> to vector<1x16xf32>
      tpu.vector_store %arg10[%swap3A_560, %swap3A_561], %swap3A_564 {strides = array<i32>} : memref<128x128xf32, #tpu.memory_space<vmem>>, vector<1x16xf32>,
      %mul3A_565 = vector.broadcast %scan3A : f32 to vector<16xf32>
      %mul3A_566 = arith.mulf %scan3A_463#5, %mul3A_565 : vector<16xf32>
      %mul3A_567 = arith.constant 2 : i32
      %mul3A_568 = arith.muli %mul3A_567, %add3A_436 : i32
      %swap3A_569 = arith.index_cast %mul3A_568 : i32 to index
      %swap3A_570 = arith.constant 80 : index
      %swap3A_571 = tpu.vector_load %arg10[%swap3A_569, %swap3A_570] {strides = array<i32>} : memref<128x128xf32, #tpu.memory_space<vmem>>, vector<1x16xf32>,
      %swap3A_572 = vector.shape_cast %swap3A_571 : vector<1x16xf32> to vector<16xf32>
      %swap3A_573 = vector.shape_cast %mul3A_566 : vector<16xf32> to vector<1x16xf32>
      tpu.vector_store %arg10[%swap3A_569, %swap3A_570], %swap3A_573 {strides = array<i32>} : memref<128x128xf32, #tpu.memory_space<vmem>>, vector<1x16xf32>,
      %mul3A_574 = vector.broadcast %scan3A : f32 to vector<16xf32>
      %mul3A_575 = arith.mulf %scan3A_463#13, %mul3A_574 : vector<16xf32>
      %mul3A_576 = arith.constant 2 : i32
      %mul3A_577 = arith.muli %mul3A_576, %add3A_436 : i32
      %add3A_578 = arith.constant 1 : i32
      %add3A_579 = arith.addi %mul3A_577, %add3A_578 : i32
      %swap3A_580 = arith.index_cast %add3A_579 : i32 to index
      %swap3A_581 = arith.constant 80 : index
      %swap3A_582 = tpu.vector_load %arg10[%swap3A_580, %swap3A_581] {strides = array<i32>} : memref<128x128xf32, #tpu.memory_space<vmem>>, vector<1x16xf32>,
      %swap3A_583 = vector.shape_cast %swap3A_582 : vector<1x16xf32> to vector<16xf32>
      %swap3A_584 = vector.shape_cast %mul3A_575 : vector<16xf32> to vector<1x16xf32>
      tpu.vector_store %arg10[%swap3A_580, %swap3A_581], %swap3A_584 {strides = array<i32>} : memref<128x128xf32, #tpu.memory_space<vmem>>, vector<1x16xf32>,
      %mul3A_585 = vector.broadcast %scan3A : f32 to vector<16xf32>
      %mul3A_586 = arith.mulf %scan3A_463#6, %mul3A_585 : vector<16xf32>
      %mul3A_587 = arith.constant 2 : i32
      %mul3A_588 = arith.muli %mul3A_587, %add3A_436 : i32
      %swap3A_589 = arith.index_cast %mul3A_588 : i32 to index
      %swap3A_590 = arith.constant 96 : index
      %swap3A_591 = tpu.vector_load %arg10[%swap3A_589, %swap3A_590] {strides = array<i32>} : memref<128x128xf32, #tpu.memory_space<vmem>>, vector<1x16xf32>,
      %swap3A_592 = vector.shape_cast %swap3A_591 : vector<1x16xf32> to vector<16xf32>
      %swap3A_593 = vector.shape_cast %mul3A_586 : vector<16xf32> to vector<1x16xf32>
      tpu.vector_store %arg10[%swap3A_589, %swap3A_590], %swap3A_593 {strides = array<i32>} : memref<128x128xf32, #tpu.memory_space<vmem>>, vector<1x16xf32>,
      %mul3A_594 = vector.broadcast %scan3A : f32 to vector<16xf32>
      %mul3A_595 = arith.mulf %scan3A_463#14, %mul3A_594 : vector<16xf32>
      %mul3A_596 = arith.constant 2 : i32
      %mul3A_597 = arith.muli %mul3A_596, %add3A_436 : i32
      %add3A_598 = arith.constant 1 : i32
      %add3A_599 = arith.addi %mul3A_597, %add3A_598 : i32
      %swap3A_600 = arith.index_cast %add3A_599 : i32 to index
      %swap3A_601 = arith.constant 96 : index
      %swap3A_602 = tpu.vector_load %arg10[%swap3A_600, %swap3A_601] {strides = array<i32>} : memref<128x128xf32, #tpu.memory_space<vmem>>, vector<1x16xf32>,
      %swap3A_603 = vector.shape_cast %swap3A_602 : vector<1x16xf32> to vector<16xf32>
      %swap3A_604 = vector.shape_cast %mul3A_595 : vector<16xf32> to vector<1x16xf32>
      tpu.vector_store %arg10[%swap3A_600, %swap3A_601], %swap3A_604 {strides = array<i32>} : memref<128x128xf32, #tpu.memory_space<vmem>>, vector<1x16xf32>,
      %mul3A_605 = vector.broadcast %scan3A : f32 to vector<16xf32>
      %mul3A_606 = arith.mulf %scan3A_463#7, %mul3A_605 : vector<16xf32>
      %mul3A_607 = arith.constant 2 : i32
      %mul3A_608 = arith.muli %mul3A_607, %add3A_436 : i32
      %swap3A_609 = arith.index_cast %mul3A_608 : i32 to index
      %swap3A_610 = arith.constant 112 : index
      %swap3A_611 = tpu.vector_load %arg10[%swap3A_609, %swap3A_610] {strides = array<i32>} : memref<128x128xf32, #tpu.memory_space<vmem>>, vector<1x16xf32>,
      %swap3A_612 = vector.shape_cast %swap3A_611 : vector<1x16xf32> to vector<16xf32>
      %swap3A_613 = vector.shape_cast %mul3A_606 : vector<16xf32> to vector<1x16xf32>
      tpu.vector_store %arg10[%swap3A_609, %swap3A_610], %swap3A_613 {strides = array<i32>} : memref<128x128xf32, #tpu.memory_space<vmem>>, vector<1x16xf32>,
      %mul3A_614 = vector.broadcast %scan3A : f32 to vector<16xf32>
      %mul3A_615 = arith.mulf %scan3A_463#15, %mul3A_614 : vector<16xf32>
      %mul3A_616 = arith.constant 2 : i32
      %mul3A_617 = arith.muli %mul3A_616, %add3A_436 : i32
      %add3A_618 = arith.constant 1 : i32
      %add3A_619 = arith.addi %mul3A_617, %add3A_618 : i32
      %swap3A_620 = arith.index_cast %add3A_619 : i32 to index
      %swap3A_621 = arith.constant 112 : index
      %swap3A_622 = tpu.vector_load %arg10[%swap3A_620, %swap3A_621] {strides = array<i32>} : memref<128x128xf32, #tpu.memory_space<vmem>>, vector<1x16xf32>,
      %swap3A_623 = vector.shape_cast %swap3A_622 : vector<1x16xf32> to vector<16xf32>
      %swap3A_624 = vector.shape_cast %mul3A_615 : vector<16xf32> to vector<1x16xf32>
      tpu.vector_store %arg10[%swap3A_620, %swap3A_621], %swap3A_624 {strides = array<i32>} : memref<128x128xf32, #tpu.memory_space<vmem>>, vector<1x16xf32>,
      %add3A_625 = arith.constant 4 : i32
      %add3A_626 = arith.addi %add3A_436, %add3A_625 : i32
      %lt3A_627 = arith.constant 64 : i32
      %lt3A_628 = arith.cmpi slt, %add3A_626, %lt3A_627 : i32
      %convert_element_type3A_629 = arith.extui %lt3A_628 : i1 to i32
      %cond3A_630 = arith.constant 0 : i32
      %cond3A_631 = arith.cmpi ne, %convert_element_type3A_629, %cond3A_630 : i32
      scf.if %cond3A_631 {
        %add3A_832 = arith.constant 4 : i32
        %add3A_833 = arith.addi %add3A_436, %add3A_832 : i32
        %dma_start3A_834 = arith.constant 0 : i32
        %dma_start3A_835 = tpu.memref_slice %arg5[%add3A_833, %dma_start3A_834] : memref<64x100xi32, #tpu.memory_space<vmem>> -> memref<1x100xi32, #tpu.memory_space<vmem>>
        %dma_start3A_836 = tpu.memref_squeeze %dma_start3A_835 : memref<1x100xi32, #tpu.memory_space<vmem>> -> memref<100xi32, #tpu.memory_space<vmem>>
        %dma_start3A_837 = arith.constant 0 : i32
        %dma_start3A_838 = arith.constant 0 : i32
        %dma_start3A_839 = tpu.memref_slice %arg3[%dma_start3A_837, %dma_start3A_838] : memref<100000x128xf32, #tpu.memory_space<hbm>> -> memref<100000x128xf32, #tpu.memory_space<hbm>>
        tpu.enqueue_indirect_dma source(%dma_start3A_839 : memref<100000x128xf32, #tpu.memory_space<hbm>>) target(%arg8 : memref<100x128xf32, #tpu.memory_space<vmem>>) offsets(%dma_start3A_836 : memref<100xi32, #tpu.memory_space<vmem>>) semaphore(%arg13 : memref<!tpu.dma_semaphore, #tpu.memory_space<semaphore_mem>>)
      } else {
      }
      %mul3A_632 = arith.constant 4 : i32
      %mul3A_633 = arith.muli %scan3A_39, %mul3A_632 : i32
      %add3A_634 = arith.constant 3 : i32
      %add3A_635 = arith.addi %mul3A_633, %add3A_634 : i32
      %dma_wait3A_636 = arith.constant 0 : i32
      %dma_wait3A_637 = tpu.memref_slice %arg5[%add3A_635, %dma_wait3A_636] : memref<64x100xi32, #tpu.memory_space<vmem>> -> memref<1x100xi32, #tpu.memory_space<vmem>>
      %dma_wait3A_638 = tpu.memref_squeeze %dma_wait3A_637 : memref<1x100xi32, #tpu.memory_space<vmem>> -> memref<100xi32, #tpu.memory_space<vmem>>
      %dma_wait3A_639 = arith.constant 0 : i32
      %dma_wait3A_640 = arith.constant 0 : i32
      %dma_wait3A_641 = tpu.memref_slice %arg3[%dma_wait3A_639, %dma_wait3A_640] : memref<100000x128xf32, #tpu.memory_space<hbm>> -> memref<100000x128xf32, #tpu.memory_space<hbm>>
      tpu.wait_indirect_dma semaphore(%arg14 : memref<!tpu.dma_semaphore, #tpu.memory_space<semaphore_mem>>) src(%dma_wait3A_641 : memref<100000x128xf32, #tpu.memory_space<hbm>>) dst(%arg9 : memref<100x128xf32, #tpu.memory_space<vmem>>)
      %broadcast_in_dim3A_642 = arith.constant 0.000000e+00 : f32
      %broadcast_in_dim3A_643 = vector.broadcast %broadcast_in_dim3A_642 : f32 to vector<16xf32>
      %broadcast_in_dim3A_644 = arith.constant 0.000000e+00 : f32
      %broadcast_in_dim3A_645 = vector.broadcast %broadcast_in_dim3A_644 : f32 to vector<16xf32>
      %broadcast_in_dim3A_646 = arith.constant 0.000000e+00 : f32
      %broadcast_in_dim3A_647 = vector.broadcast %broadcast_in_dim3A_646 : f32 to vector<16xf32>
      %broadcast_in_dim3A_648 = arith.constant 0.000000e+00 : f32
      %broadcast_in_dim3A_649 = vector.broadcast %broadcast_in_dim3A_648 : f32 to vector<16xf32>
      %broadcast_in_dim3A_650 = arith.constant 0.000000e+00 : f32
      %broadcast_in_dim3A_651 = vector.broadcast %broadcast_in_dim3A_650 : f32 to vector<16xf32>
      %broadcast_in_dim3A_652 = arith.constant 0.000000e+00 : f32
      %broadcast_in_dim3A_653 = vector.broadcast %broadcast_in_dim3A_652 : f32 to vector<16xf32>
      %broadcast_in_dim3A_654 = arith.constant 0.000000e+00 : f32
      %broadcast_in_dim3A_655 = vector.broadcast %broadcast_in_dim3A_654 : f32 to vector<16xf32>
      %broadcast_in_dim3A_656 = arith.constant 0.000000e+00 : f32
      %broadcast_in_dim3A_657 = vector.broadcast %broadcast_in_dim3A_656 : f32 to vector<16xf32>
      %scan3A_658 = arith.constant 0 : i32
      %scan3A_659 = arith.constant 50 : i32
      %scan3A_660 = arith.addi %scan3A_658, %scan3A_659 : i32
      %scan3A_661 = arith.constant 1 : i32
      %scan3A_662:16 = scf.for %scan3A_832 = %scan3A_658 to %scan3A_660 step %scan3A_661 iter_args(%scan3A_833 = %broadcast_in_dim3A_643, %scan3A_834 = %broadcast_in_dim3A_645, %scan3A_835 = %broadcast_in_dim3A_647, %scan3A_836 = %broadcast_in_dim3A_649, %scan3A_837 = %broadcast_in_dim3A_651, %scan3A_838 = %broadcast_in_dim3A_653, %scan3A_839 = %broadcast_in_dim3A_655, %scan3A_840 = %broadcast_in_dim3A_657, %scan3A_841 = %broadcast_in_dim3A_643, %scan3A_842 = %broadcast_in_dim3A_645, %scan3A_843 = %broadcast_in_dim3A_647, %scan3A_844 = %broadcast_in_dim3A_649, %scan3A_845 = %broadcast_in_dim3A_651, %scan3A_846 = %broadcast_in_dim3A_653, %scan3A_847 = %broadcast_in_dim3A_655, %scan3A_848 = %broadcast_in_dim3A_657) -> (vector<16xf32>, vector<16xf32>, vector<16xf32>, vector<16xf32>, vector<16xf32>, vector<16xf32>, vector<16xf32>, vector<16xf32>, vector<16xf32>, vector<16xf32>, vector<16xf32>, vector<16xf32>, vector<16xf32>, vector<16xf32>, vector<16xf32>, vector<16xf32>)  : i32 {
        %get3A = arith.index_cast %scan3A_832 : i32 to index
        %get3A_849 = arith.constant 0 : index
        %get3A_850 = tpu.vector_load %arg9[%get3A, %get3A_849] {strides = array<i32>} : memref<100x128xf32, #tpu.memory_space<vmem>>, vector<1x16xf32>,
        %get3A_851 = vector.shape_cast %get3A_850 : vector<1x16xf32> to vector<16xf32>
        %add3A_852 = arith.addf %scan3A_833, %get3A_851 : vector<16xf32>
        %get3A_853 = arith.index_cast %scan3A_832 : i32 to index
        %get3A_854 = arith.constant 16 : index
        %get3A_855 = tpu.vector_load %arg9[%get3A_853, %get3A_854] {strides = array<i32>} : memref<100x128xf32, #tpu.memory_space<vmem>>, vector<1x16xf32>,
        %get3A_856 = vector.shape_cast %get3A_855 : vector<1x16xf32> to vector<16xf32>
        %add3A_857 = arith.addf %scan3A_834, %get3A_856 : vector<16xf32>
        %get3A_858 = arith.index_cast %scan3A_832 : i32 to index
        %get3A_859 = arith.constant 32 : index
        %get3A_860 = tpu.vector_load %arg9[%get3A_858, %get3A_859] {strides = array<i32>} : memref<100x128xf32, #tpu.memory_space<vmem>>, vector<1x16xf32>,
        %get3A_861 = vector.shape_cast %get3A_860 : vector<1x16xf32> to vector<16xf32>
        %add3A_862 = arith.addf %scan3A_835, %get3A_861 : vector<16xf32>
        %get3A_863 = arith.index_cast %scan3A_832 : i32 to index
        %get3A_864 = arith.constant 48 : index
        %get3A_865 = tpu.vector_load %arg9[%get3A_863, %get3A_864] {strides = array<i32>} : memref<100x128xf32, #tpu.memory_space<vmem>>, vector<1x16xf32>,
        %get3A_866 = vector.shape_cast %get3A_865 : vector<1x16xf32> to vector<16xf32>
        %add3A_867 = arith.addf %scan3A_836, %get3A_866 : vector<16xf32>
        %get3A_868 = arith.index_cast %scan3A_832 : i32 to index
        %get3A_869 = arith.constant 64 : index
        %get3A_870 = tpu.vector_load %arg9[%get3A_868, %get3A_869] {strides = array<i32>} : memref<100x128xf32, #tpu.memory_space<vmem>>, vector<1x16xf32>,
        %get3A_871 = vector.shape_cast %get3A_870 : vector<1x16xf32> to vector<16xf32>
        %add3A_872 = arith.addf %scan3A_837, %get3A_871 : vector<16xf32>
        %get3A_873 = arith.index_cast %scan3A_832 : i32 to index
        %get3A_874 = arith.constant 80 : index
        %get3A_875 = tpu.vector_load %arg9[%get3A_873, %get3A_874] {strides = array<i32>} : memref<100x128xf32, #tpu.memory_space<vmem>>, vector<1x16xf32>,
        %get3A_876 = vector.shape_cast %get3A_875 : vector<1x16xf32> to vector<16xf32>
        %add3A_877 = arith.addf %scan3A_838, %get3A_876 : vector<16xf32>
        %get3A_878 = arith.index_cast %scan3A_832 : i32 to index
        %get3A_879 = arith.constant 96 : index
        %get3A_880 = tpu.vector_load %arg9[%get3A_878, %get3A_879] {strides = array<i32>} : memref<100x128xf32, #tpu.memory_space<vmem>>, vector<1x16xf32>,
        %get3A_881 = vector.shape_cast %get3A_880 : vector<1x16xf32> to vector<16xf32>
        %add3A_882 = arith.addf %scan3A_839, %get3A_881 : vector<16xf32>
        %get3A_883 = arith.index_cast %scan3A_832 : i32 to index
        %get3A_884 = arith.constant 112 : index
        %get3A_885 = tpu.vector_load %arg9[%get3A_883, %get3A_884] {strides = array<i32>} : memref<100x128xf32, #tpu.memory_space<vmem>>, vector<1x16xf32>,
        %get3A_886 = vector.shape_cast %get3A_885 : vector<1x16xf32> to vector<16xf32>
        %add3A_887 = arith.addf %scan3A_840, %get3A_886 : vector<16xf32>
        %add3A_888 = arith.constant 50 : i32
        %add3A_889 = arith.addi %add3A_888, %scan3A_832 : i32
        %get3A_890 = arith.index_cast %add3A_889 : i32 to index
        %get3A_891 = arith.constant 0 : index
        %get3A_892 = tpu.vector_load %arg9[%get3A_890, %get3A_891] {strides = array<i32>} : memref<100x128xf32, #tpu.memory_space<vmem>>, vector<1x16xf32>,
        %get3A_893 = vector.shape_cast %get3A_892 : vector<1x16xf32> to vector<16xf32>
        %add3A_894 = arith.addf %scan3A_841, %get3A_893 : vector<16xf32>
        %add3A_895 = arith.constant 50 : i32
        %add3A_896 = arith.addi %add3A_895, %scan3A_832 : i32
        %get3A_897 = arith.index_cast %add3A_896 : i32 to index
        %get3A_898 = arith.constant 16 : index
        %get3A_899 = tpu.vector_load %arg9[%get3A_897, %get3A_898] {strides = array<i32>} : memref<100x128xf32, #tpu.memory_space<vmem>>, vector<1x16xf32>,
        %get3A_900 = vector.shape_cast %get3A_899 : vector<1x16xf32> to vector<16xf32>
        %add3A_901 = arith.addf %scan3A_842, %get3A_900 : vector<16xf32>
        %add3A_902 = arith.constant 50 : i32
        %add3A_903 = arith.addi %add3A_902, %scan3A_832 : i32
        %get3A_904 = arith.index_cast %add3A_903 : i32 to index
        %get3A_905 = arith.constant 32 : index
        %get3A_906 = tpu.vector_load %arg9[%get3A_904, %get3A_905] {strides = array<i32>} : memref<100x128xf32, #tpu.memory_space<vmem>>, vector<1x16xf32>,
        %get3A_907 = vector.shape_cast %get3A_906 : vector<1x16xf32> to vector<16xf32>
        %add3A_908 = arith.addf %scan3A_843, %get3A_907 : vector<16xf32>
        %add3A_909 = arith.constant 50 : i32
        %add3A_910 = arith.addi %add3A_909, %scan3A_832 : i32
        %get3A_911 = arith.index_cast %add3A_910 : i32 to index
        %get3A_912 = arith.constant 48 : index
        %get3A_913 = tpu.vector_load %arg9[%get3A_911, %get3A_912] {strides = array<i32>} : memref<100x128xf32, #tpu.memory_space<vmem>>, vector<1x16xf32>,
        %get3A_914 = vector.shape_cast %get3A_913 : vector<1x16xf32> to vector<16xf32>
        %add3A_915 = arith.addf %scan3A_844, %get3A_914 : vector<16xf32>
        %add3A_916 = arith.constant 50 : i32
        %add3A_917 = arith.addi %add3A_916, %scan3A_832 : i32
        %get3A_918 = arith.index_cast %add3A_917 : i32 to index
        %get3A_919 = arith.constant 64 : index
        %get3A_920 = tpu.vector_load %arg9[%get3A_918, %get3A_919] {strides = array<i32>} : memref<100x128xf32, #tpu.memory_space<vmem>>, vector<1x16xf32>,
        %get3A_921 = vector.shape_cast %get3A_920 : vector<1x16xf32> to vector<16xf32>
        %add3A_922 = arith.addf %scan3A_845, %get3A_921 : vector<16xf32>
        %add3A_923 = arith.constant 50 : i32
        %add3A_924 = arith.addi %add3A_923, %scan3A_832 : i32
        %get3A_925 = arith.index_cast %add3A_924 : i32 to index
        %get3A_926 = arith.constant 80 : index
        %get3A_927 = tpu.vector_load %arg9[%get3A_925, %get3A_926] {strides = array<i32>} : memref<100x128xf32, #tpu.memory_space<vmem>>, vector<1x16xf32>,
        %get3A_928 = vector.shape_cast %get3A_927 : vector<1x16xf32> to vector<16xf32>
        %add3A_929 = arith.addf %scan3A_846, %get3A_928 : vector<16xf32>
        %add3A_930 = arith.constant 50 : i32
        %add3A_931 = arith.addi %add3A_930, %scan3A_832 : i32
        %get3A_932 = arith.index_cast %add3A_931 : i32 to index
        %get3A_933 = arith.constant 96 : index
        %get3A_934 = tpu.vector_load %arg9[%get3A_932, %get3A_933] {strides = array<i32>} : memref<100x128xf32, #tpu.memory_space<vmem>>, vector<1x16xf32>,
        %get3A_935 = vector.shape_cast %get3A_934 : vector<1x16xf32> to vector<16xf32>
        %add3A_936 = arith.addf %scan3A_847, %get3A_935 : vector<16xf32>
        %add3A_937 = arith.constant 50 : i32
        %add3A_938 = arith.addi %add3A_937, %scan3A_832 : i32
        %get3A_939 = arith.index_cast %add3A_938 : i32 to index
        %get3A_940 = arith.constant 112 : index
        %get3A_941 = tpu.vector_load %arg9[%get3A_939, %get3A_940] {strides = array<i32>} : memref<100x128xf32, #tpu.memory_space<vmem>>, vector<1x16xf32>,
        %get3A_942 = vector.shape_cast %get3A_941 : vector<1x16xf32> to vector<16xf32>
        %add3A_943 = arith.addf %scan3A_848, %get3A_942 : vector<16xf32>
        scf.yield %add3A_852, %add3A_857, %add3A_862, %add3A_867, %add3A_872, %add3A_877, %add3A_882, %add3A_887, %add3A_894, %add3A_901, %add3A_908, %add3A_915, %add3A_922, %add3A_929, %add3A_936, %add3A_943 : vector<16xf32>, vector<16xf32>, vector<16xf32>, vector<16xf32>, vector<16xf32>, vector<16xf32>, vector<16xf32>, vector<16xf32>, vector<16xf32>, vector<16xf32>, vector<16xf32>, vector<16xf32>, vector<16xf32>, vector<16xf32>, vector<16xf32>, vector<16xf32>
      }
      %scan3A_663 = arith.constant 50 : i32
      %mul3A_664 = vector.broadcast %scan3A : f32 to vector<16xf32>
      %mul3A_665 = arith.mulf %scan3A_662#0, %mul3A_664 : vector<16xf32>
      %mul3A_666 = arith.constant 2 : i32
      %mul3A_667 = arith.muli %mul3A_666, %add3A_635 : i32
      %swap3A_668 = arith.index_cast %mul3A_667 : i32 to index
      %swap3A_669 = arith.constant 0 : index
      %swap3A_670 = tpu.vector_load %arg10[%swap3A_668, %swap3A_669] {strides = array<i32>} : memref<128x128xf32, #tpu.memory_space<vmem>>, vector<1x16xf32>,
      %swap3A_671 = vector.shape_cast %swap3A_670 : vector<1x16xf32> to vector<16xf32>
      %swap3A_672 = vector.shape_cast %mul3A_665 : vector<16xf32> to vector<1x16xf32>
      tpu.vector_store %arg10[%swap3A_668, %swap3A_669], %swap3A_672 {strides = array<i32>} : memref<128x128xf32, #tpu.memory_space<vmem>>, vector<1x16xf32>,
      %mul3A_673 = vector.broadcast %scan3A : f32 to vector<16xf32>
      %mul3A_674 = arith.mulf %scan3A_662#8, %mul3A_673 : vector<16xf32>
      %mul3A_675 = arith.constant 2 : i32
      %mul3A_676 = arith.muli %mul3A_675, %add3A_635 : i32
      %add3A_677 = arith.constant 1 : i32
      %add3A_678 = arith.addi %mul3A_676, %add3A_677 : i32
      %swap3A_679 = arith.index_cast %add3A_678 : i32 to index
      %swap3A_680 = arith.constant 0 : index
      %swap3A_681 = tpu.vector_load %arg10[%swap3A_679, %swap3A_680] {strides = array<i32>} : memref<128x128xf32, #tpu.memory_space<vmem>>, vector<1x16xf32>,
      %swap3A_682 = vector.shape_cast %swap3A_681 : vector<1x16xf32> to vector<16xf32>
      %swap3A_683 = vector.shape_cast %mul3A_674 : vector<16xf32> to vector<1x16xf32>
      tpu.vector_store %arg10[%swap3A_679, %swap3A_680], %swap3A_683 {strides = array<i32>} : memref<128x128xf32, #tpu.memory_space<vmem>>, vector<1x16xf32>,
      %mul3A_684 = vector.broadcast %scan3A : f32 to vector<16xf32>
      %mul3A_685 = arith.mulf %scan3A_662#1, %mul3A_684 : vector<16xf32>
      %mul3A_686 = arith.constant 2 : i32
      %mul3A_687 = arith.muli %mul3A_686, %add3A_635 : i32
      %swap3A_688 = arith.index_cast %mul3A_687 : i32 to index
      %swap3A_689 = arith.constant 16 : index
      %swap3A_690 = tpu.vector_load %arg10[%swap3A_688, %swap3A_689] {strides = array<i32>} : memref<128x128xf32, #tpu.memory_space<vmem>>, vector<1x16xf32>,
      %swap3A_691 = vector.shape_cast %swap3A_690 : vector<1x16xf32> to vector<16xf32>
      %swap3A_692 = vector.shape_cast %mul3A_685 : vector<16xf32> to vector<1x16xf32>
      tpu.vector_store %arg10[%swap3A_688, %swap3A_689], %swap3A_692 {strides = array<i32>} : memref<128x128xf32, #tpu.memory_space<vmem>>, vector<1x16xf32>,
      %mul3A_693 = vector.broadcast %scan3A : f32 to vector<16xf32>
      %mul3A_694 = arith.mulf %scan3A_662#9, %mul3A_693 : vector<16xf32>
      %mul3A_695 = arith.constant 2 : i32
      %mul3A_696 = arith.muli %mul3A_695, %add3A_635 : i32
      %add3A_697 = arith.constant 1 : i32
      %add3A_698 = arith.addi %mul3A_696, %add3A_697 : i32
      %swap3A_699 = arith.index_cast %add3A_698 : i32 to index
      %swap3A_700 = arith.constant 16 : index
      %swap3A_701 = tpu.vector_load %arg10[%swap3A_699, %swap3A_700] {strides = array<i32>} : memref<128x128xf32, #tpu.memory_space<vmem>>, vector<1x16xf32>,
      %swap3A_702 = vector.shape_cast %swap3A_701 : vector<1x16xf32> to vector<16xf32>
      %swap3A_703 = vector.shape_cast %mul3A_694 : vector<16xf32> to vector<1x16xf32>
      tpu.vector_store %arg10[%swap3A_699, %swap3A_700], %swap3A_703 {strides = array<i32>} : memref<128x128xf32, #tpu.memory_space<vmem>>, vector<1x16xf32>,
      %mul3A_704 = vector.broadcast %scan3A : f32 to vector<16xf32>
      %mul3A_705 = arith.mulf %scan3A_662#2, %mul3A_704 : vector<16xf32>
      %mul3A_706 = arith.constant 2 : i32
      %mul3A_707 = arith.muli %mul3A_706, %add3A_635 : i32
      %swap3A_708 = arith.index_cast %mul3A_707 : i32 to index
      %swap3A_709 = arith.constant 32 : index
      %swap3A_710 = tpu.vector_load %arg10[%swap3A_708, %swap3A_709] {strides = array<i32>} : memref<128x128xf32, #tpu.memory_space<vmem>>, vector<1x16xf32>,
      %swap3A_711 = vector.shape_cast %swap3A_710 : vector<1x16xf32> to vector<16xf32>
      %swap3A_712 = vector.shape_cast %mul3A_705 : vector<16xf32> to vector<1x16xf32>
      tpu.vector_store %arg10[%swap3A_708, %swap3A_709], %swap3A_712 {strides = array<i32>} : memref<128x128xf32, #tpu.memory_space<vmem>>, vector<1x16xf32>,
      %mul3A_713 = vector.broadcast %scan3A : f32 to vector<16xf32>
      %mul3A_714 = arith.mulf %scan3A_662#10, %mul3A_713 : vector<16xf32>
      %mul3A_715 = arith.constant 2 : i32
      %mul3A_716 = arith.muli %mul3A_715, %add3A_635 : i32
      %add3A_717 = arith.constant 1 : i32
      %add3A_718 = arith.addi %mul3A_716, %add3A_717 : i32
      %swap3A_719 = arith.index_cast %add3A_718 : i32 to index
      %swap3A_720 = arith.constant 32 : index
      %swap3A_721 = tpu.vector_load %arg10[%swap3A_719, %swap3A_720] {strides = array<i32>} : memref<128x128xf32, #tpu.memory_space<vmem>>, vector<1x16xf32>,
      %swap3A_722 = vector.shape_cast %swap3A_721 : vector<1x16xf32> to vector<16xf32>
      %swap3A_723 = vector.shape_cast %mul3A_714 : vector<16xf32> to vector<1x16xf32>
      tpu.vector_store %arg10[%swap3A_719, %swap3A_720], %swap3A_723 {strides = array<i32>} : memref<128x128xf32, #tpu.memory_space<vmem>>, vector<1x16xf32>,
      %mul3A_724 = vector.broadcast %scan3A : f32 to vector<16xf32>
      %mul3A_725 = arith.mulf %scan3A_662#3, %mul3A_724 : vector<16xf32>
      %mul3A_726 = arith.constant 2 : i32
      %mul3A_727 = arith.muli %mul3A_726, %add3A_635 : i32
      %swap3A_728 = arith.index_cast %mul3A_727 : i32 to index
      %swap3A_729 = arith.constant 48 : index
      %swap3A_730 = tpu.vector_load %arg10[%swap3A_728, %swap3A_729] {strides = array<i32>} : memref<128x128xf32, #tpu.memory_space<vmem>>, vector<1x16xf32>,
      %swap3A_731 = vector.shape_cast %swap3A_730 : vector<1x16xf32> to vector<16xf32>
      %swap3A_732 = vector.shape_cast %mul3A_725 : vector<16xf32> to vector<1x16xf32>
      tpu.vector_store %arg10[%swap3A_728, %swap3A_729], %swap3A_732 {strides = array<i32>} : memref<128x128xf32, #tpu.memory_space<vmem>>, vector<1x16xf32>,
      %mul3A_733 = vector.broadcast %scan3A : f32 to vector<16xf32>
      %mul3A_734 = arith.mulf %scan3A_662#11, %mul3A_733 : vector<16xf32>
      %mul3A_735 = arith.constant 2 : i32
      %mul3A_736 = arith.muli %mul3A_735, %add3A_635 : i32
      %add3A_737 = arith.constant 1 : i32
      %add3A_738 = arith.addi %mul3A_736, %add3A_737 : i32
      %swap3A_739 = arith.index_cast %add3A_738 : i32 to index
      %swap3A_740 = arith.constant 48 : index
      %swap3A_741 = tpu.vector_load %arg10[%swap3A_739, %swap3A_740] {strides = array<i32>} : memref<128x128xf32, #tpu.memory_space<vmem>>, vector<1x16xf32>,
      %swap3A_742 = vector.shape_cast %swap3A_741 : vector<1x16xf32> to vector<16xf32>
      %swap3A_743 = vector.shape_cast %mul3A_734 : vector<16xf32> to vector<1x16xf32>
      tpu.vector_store %arg10[%swap3A_739, %swap3A_740], %swap3A_743 {strides = array<i32>} : memref<128x128xf32, #tpu.memory_space<vmem>>, vector<1x16xf32>,
      %mul3A_744 = vector.broadcast %scan3A : f32 to vector<16xf32>
      %mul3A_745 = arith.mulf %scan3A_662#4, %mul3A_744 : vector<16xf32>
      %mul3A_746 = arith.constant 2 : i32
      %mul3A_747 = arith.muli %mul3A_746, %add3A_635 : i32
      %swap3A_748 = arith.index_cast %mul3A_747 : i32 to index
      %swap3A_749 = arith.constant 64 : index
      %swap3A_750 = tpu.vector_load %arg10[%swap3A_748, %swap3A_749] {strides = array<i32>} : memref<128x128xf32, #tpu.memory_space<vmem>>, vector<1x16xf32>,
      %swap3A_751 = vector.shape_cast %swap3A_750 : vector<1x16xf32> to vector<16xf32>
      %swap3A_752 = vector.shape_cast %mul3A_745 : vector<16xf32> to vector<1x16xf32>
      tpu.vector_store %arg10[%swap3A_748, %swap3A_749], %swap3A_752 {strides = array<i32>} : memref<128x128xf32, #tpu.memory_space<vmem>>, vector<1x16xf32>,
      %mul3A_753 = vector.broadcast %scan3A : f32 to vector<16xf32>
      %mul3A_754 = arith.mulf %scan3A_662#12, %mul3A_753 : vector<16xf32>
      %mul3A_755 = arith.constant 2 : i32
      %mul3A_756 = arith.muli %mul3A_755, %add3A_635 : i32
      %add3A_757 = arith.constant 1 : i32
      %add3A_758 = arith.addi %mul3A_756, %add3A_757 : i32
      %swap3A_759 = arith.index_cast %add3A_758 : i32 to index
      %swap3A_760 = arith.constant 64 : index
      %swap3A_761 = tpu.vector_load %arg10[%swap3A_759, %swap3A_760] {strides = array<i32>} : memref<128x128xf32, #tpu.memory_space<vmem>>, vector<1x16xf32>,
      %swap3A_762 = vector.shape_cast %swap3A_761 : vector<1x16xf32> to vector<16xf32>
      %swap3A_763 = vector.shape_cast %mul3A_754 : vector<16xf32> to vector<1x16xf32>
      tpu.vector_store %arg10[%swap3A_759, %swap3A_760], %swap3A_763 {strides = array<i32>} : memref<128x128xf32, #tpu.memory_space<vmem>>, vector<1x16xf32>,
      %mul3A_764 = vector.broadcast %scan3A : f32 to vector<16xf32>
      %mul3A_765 = arith.mulf %scan3A_662#5, %mul3A_764 : vector<16xf32>
      %mul3A_766 = arith.constant 2 : i32
      %mul3A_767 = arith.muli %mul3A_766, %add3A_635 : i32
      %swap3A_768 = arith.index_cast %mul3A_767 : i32 to index
      %swap3A_769 = arith.constant 80 : index
      %swap3A_770 = tpu.vector_load %arg10[%swap3A_768, %swap3A_769] {strides = array<i32>} : memref<128x128xf32, #tpu.memory_space<vmem>>, vector<1x16xf32>,
      %swap3A_771 = vector.shape_cast %swap3A_770 : vector<1x16xf32> to vector<16xf32>
      %swap3A_772 = vector.shape_cast %mul3A_765 : vector<16xf32> to vector<1x16xf32>
      tpu.vector_store %arg10[%swap3A_768, %swap3A_769], %swap3A_772 {strides = array<i32>} : memref<128x128xf32, #tpu.memory_space<vmem>>, vector<1x16xf32>,
      %mul3A_773 = vector.broadcast %scan3A : f32 to vector<16xf32>
      %mul3A_774 = arith.mulf %scan3A_662#13, %mul3A_773 : vector<16xf32>
      %mul3A_775 = arith.constant 2 : i32
      %mul3A_776 = arith.muli %mul3A_775, %add3A_635 : i32
      %add3A_777 = arith.constant 1 : i32
      %add3A_778 = arith.addi %mul3A_776, %add3A_777 : i32
      %swap3A_779 = arith.index_cast %add3A_778 : i32 to index
      %swap3A_780 = arith.constant 80 : index
      %swap3A_781 = tpu.vector_load %arg10[%swap3A_779, %swap3A_780] {strides = array<i32>} : memref<128x128xf32, #tpu.memory_space<vmem>>, vector<1x16xf32>,
      %swap3A_782 = vector.shape_cast %swap3A_781 : vector<1x16xf32> to vector<16xf32>
      %swap3A_783 = vector.shape_cast %mul3A_774 : vector<16xf32> to vector<1x16xf32>
      tpu.vector_store %arg10[%swap3A_779, %swap3A_780], %swap3A_783 {strides = array<i32>} : memref<128x128xf32, #tpu.memory_space<vmem>>, vector<1x16xf32>,
      %mul3A_784 = vector.broadcast %scan3A : f32 to vector<16xf32>
      %mul3A_785 = arith.mulf %scan3A_662#6, %mul3A_784 : vector<16xf32>
      %mul3A_786 = arith.constant 2 : i32
      %mul3A_787 = arith.muli %mul3A_786, %add3A_635 : i32
      %swap3A_788 = arith.index_cast %mul3A_787 : i32 to index
      %swap3A_789 = arith.constant 96 : index
      %swap3A_790 = tpu.vector_load %arg10[%swap3A_788, %swap3A_789] {strides = array<i32>} : memref<128x128xf32, #tpu.memory_space<vmem>>, vector<1x16xf32>,
      %swap3A_791 = vector.shape_cast %swap3A_790 : vector<1x16xf32> to vector<16xf32>
      %swap3A_792 = vector.shape_cast %mul3A_785 : vector<16xf32> to vector<1x16xf32>
      tpu.vector_store %arg10[%swap3A_788, %swap3A_789], %swap3A_792 {strides = array<i32>} : memref<128x128xf32, #tpu.memory_space<vmem>>, vector<1x16xf32>,
      %mul3A_793 = vector.broadcast %scan3A : f32 to vector<16xf32>
      %mul3A_794 = arith.mulf %scan3A_662#14, %mul3A_793 : vector<16xf32>
      %mul3A_795 = arith.constant 2 : i32
      %mul3A_796 = arith.muli %mul3A_795, %add3A_635 : i32
      %add3A_797 = arith.constant 1 : i32
      %add3A_798 = arith.addi %mul3A_796, %add3A_797 : i32
      %swap3A_799 = arith.index_cast %add3A_798 : i32 to index
      %swap3A_800 = arith.constant 96 : index
      %swap3A_801 = tpu.vector_load %arg10[%swap3A_799, %swap3A_800] {strides = array<i32>} : memref<128x128xf32, #tpu.memory_space<vmem>>, vector<1x16xf32>,
      %swap3A_802 = vector.shape_cast %swap3A_801 : vector<1x16xf32> to vector<16xf32>
      %swap3A_803 = vector.shape_cast %mul3A_794 : vector<16xf32> to vector<1x16xf32>
      tpu.vector_store %arg10[%swap3A_799, %swap3A_800], %swap3A_803 {strides = array<i32>} : memref<128x128xf32, #tpu.memory_space<vmem>>, vector<1x16xf32>,
      %mul3A_804 = vector.broadcast %scan3A : f32 to vector<16xf32>
      %mul3A_805 = arith.mulf %scan3A_662#7, %mul3A_804 : vector<16xf32>
      %mul3A_806 = arith.constant 2 : i32
      %mul3A_807 = arith.muli %mul3A_806, %add3A_635 : i32
      %swap3A_808 = arith.index_cast %mul3A_807 : i32 to index
      %swap3A_809 = arith.constant 112 : index
      %swap3A_810 = tpu.vector_load %arg10[%swap3A_808, %swap3A_809] {strides = array<i32>} : memref<128x128xf32, #tpu.memory_space<vmem>>, vector<1x16xf32>,
      %swap3A_811 = vector.shape_cast %swap3A_810 : vector<1x16xf32> to vector<16xf32>
      %swap3A_812 = vector.shape_cast %mul3A_805 : vector<16xf32> to vector<1x16xf32>
      tpu.vector_store %arg10[%swap3A_808, %swap3A_809], %swap3A_812 {strides = array<i32>} : memref<128x128xf32, #tpu.memory_space<vmem>>, vector<1x16xf32>,
      %mul3A_813 = vector.broadcast %scan3A : f32 to vector<16xf32>
      %mul3A_814 = arith.mulf %scan3A_662#15, %mul3A_813 : vector<16xf32>
      %mul3A_815 = arith.constant 2 : i32
      %mul3A_816 = arith.muli %mul3A_815, %add3A_635 : i32
      %add3A_817 = arith.constant 1 : i32
      %add3A_818 = arith.addi %mul3A_816, %add3A_817 : i32
      %swap3A_819 = arith.index_cast %add3A_818 : i32 to index
      %swap3A_820 = arith.constant 112 : index
      %swap3A_821 = tpu.vector_load %arg10[%swap3A_819, %swap3A_820] {strides = array<i32>} : memref<128x128xf32, #tpu.memory_space<vmem>>, vector<1x16xf32>,
      %swap3A_822 = vector.shape_cast %swap3A_821 : vector<1x16xf32> to vector<16xf32>
      %swap3A_823 = vector.shape_cast %mul3A_814 : vector<16xf32> to vector<1x16xf32>
      tpu.vector_store %arg10[%swap3A_819, %swap3A_820], %swap3A_823 {strides = array<i32>} : memref<128x128xf32, #tpu.memory_space<vmem>>, vector<1x16xf32>,
      %add3A_824 = arith.constant 4 : i32
      %add3A_825 = arith.addi %add3A_635, %add3A_824 : i32
      %lt3A_826 = arith.constant 64 : i32
      %lt3A_827 = arith.cmpi slt, %add3A_825, %lt3A_826 : i32
      %convert_element_type3A_828 = arith.extui %lt3A_827 : i1 to i32
      %cond3A_829 = arith.constant 0 : i32
      %cond3A_830 = arith.cmpi ne, %convert_element_type3A_828, %cond3A_829 : i32
      scf.if %cond3A_830 {
        %add3A_832 = arith.constant 4 : i32
        %add3A_833 = arith.addi %add3A_635, %add3A_832 : i32
        %dma_start3A_834 = arith.constant 0 : i32
        %dma_start3A_835 = tpu.memref_slice %arg5[%add3A_833, %dma_start3A_834] : memref<64x100xi32, #tpu.memory_space<vmem>> -> memref<1x100xi32, #tpu.memory_space<vmem>>
        %dma_start3A_836 = tpu.memref_squeeze %dma_start3A_835 : memref<1x100xi32, #tpu.memory_space<vmem>> -> memref<100xi32, #tpu.memory_space<vmem>>
        %dma_start3A_837 = arith.constant 0 : i32
        %dma_start3A_838 = arith.constant 0 : i32
        %dma_start3A_839 = tpu.memref_slice %arg3[%dma_start3A_837, %dma_start3A_838] : memref<100000x128xf32, #tpu.memory_space<hbm>> -> memref<100000x128xf32, #tpu.memory_space<hbm>>
        tpu.enqueue_indirect_dma source(%dma_start3A_839 : memref<100000x128xf32, #tpu.memory_space<hbm>>) target(%arg9 : memref<100x128xf32, #tpu.memory_space<vmem>>) offsets(%dma_start3A_836 : memref<100xi32, #tpu.memory_space<vmem>>) semaphore(%arg14 : memref<!tpu.dma_semaphore, #tpu.memory_space<semaphore_mem>>)
      } else {
      }
      %scan3A_831 = arith.constant 0 : i32
      scf.yield %scan3A_831 : i32
    }
    %scan3A_38 = arith.constant 16 : i32
    "tpu.region"() ({
      %run_scoped3A = tpu.sem_alloc : memref<!tpu.dma_semaphore, #tpu.memory_space<semaphore_mem>>
      %dma_start3A_39 = arith.constant 0 : i32
      %dma_start3A_40 = tpu.memref_slice %arg4[%mul3A_2, %dma_start3A_39] : memref<4096x128xf32, #tpu.memory_space<hbm>> -> memref<128x128xf32, #tpu.memory_space<hbm>>
      %dma_start3A_41 = arith.constant 0 : i32
      %dma_start3A_42 = tpu.memref_slice %arg4[%mul3A_2, %dma_start3A_41] : memref<4096x128xf32, #tpu.memory_space<hbm>> -> memref<128x128xf32, #tpu.memory_space<hbm>>
      tpu.enqueue_dma source(%arg10 : memref<128x128xf32, #tpu.memory_space<vmem>>) target(%dma_start3A_42 : memref<128x128xf32, #tpu.memory_space<hbm>>) target_semaphore(%run_scoped3A : memref<!tpu.dma_semaphore, #tpu.memory_space<semaphore_mem>>)
      %dma_wait3A = arith.constant 0 : i32
      %dma_wait3A_43 = tpu.memref_slice %arg4[%mul3A_2, %dma_wait3A] : memref<4096x128xf32, #tpu.memory_space<hbm>> -> memref<128x128xf32, #tpu.memory_space<hbm>>
      %dma_wait3A_44 = arith.constant 0 : i32
      %dma_wait3A_45 = tpu.memref_slice %arg4[%mul3A_2, %dma_wait3A_44] : memref<4096x128xf32, #tpu.memory_space<hbm>> -> memref<128x128xf32, #tpu.memory_space<hbm>>
      tpu.wait_dma2 semaphore(%run_scoped3A : memref<!tpu.dma_semaphore, #tpu.memory_space<semaphore_mem>>) src(%arg10 : memref<128x128xf32, #tpu.memory_space<vmem>>) dst(%dma_wait3A_45 : memref<128x128xf32, #tpu.memory_space<hbm>>)
      tpu.yield
    }) : () -> ()
    return
  }
}

module attributes {stable_mosaic.version = 14 : i64} {
  func.func @_ln_body(%arg0: memref<4096x128xf32, #tpu.memory_space<vmem>>, %arg1: memref<1x128xf32, #tpu.memory_space<vmem>>, %arg2: memref<4096x1xf32, #tpu.memory_space<vmem>>, %arg3: memref<4096x1xf32, #tpu.memory_space<vmem>>, %arg4: memref<4096x128xf32, #tpu.memory_space<vmem>>) attributes {dimension_semantics = [], scalar_prefetch = 0 : i64, scratch_operands = 0 : i64, tpu.core_type = #tpu.core_type<tc>} {
    %get3A = arith.constant 0 : index
    %get3A_0 = arith.constant 0 : index
    %get3A_1 = vector.load %arg0[%get3A, %get3A_0] : memref<4096x128xf32, #tpu.memory_space<vmem>>, vector<4096x128xf32>
    %get3A_2 = arith.constant 0 : index
    %get3A_3 = arith.constant 0 : index
    %get3A_4 = vector.load %arg1[%get3A_2, %get3A_3] : memref<1x128xf32, #tpu.memory_space<vmem>>, vector<1x128xf32>
    %add3A = vector.broadcast %get3A_4 : vector<1x128xf32> to vector<4096x128xf32>
    %add3A_5 = arith.addf %get3A_1, %add3A : vector<4096x128xf32>
    %reduce_sum3A = arith.constant dense<0.000000e+00> : vector<128xf32>
    %reduce_sum3A_6 = vector.multi_reduction <add>, %add3A_5, %reduce_sum3A [0] : vector<4096x128xf32> to vector<128xf32>
    %broadcast_in_dim3A = vector.shape_cast %reduce_sum3A_6 : vector<128xf32> to vector<1x128xf32>
    %div3A = arith.constant 4.096000e+03 : f32
    %div3A_7 = vector.broadcast %div3A : f32 to vector<1x128xf32>
    %div3A_8 = arith.divf %broadcast_in_dim3A, %div3A_7 : vector<1x128xf32>
    %sub3A = vector.broadcast %div3A_8 : vector<1x128xf32> to vector<4096x128xf32>
    %sub3A_9 = arith.subf %add3A_5, %sub3A : vector<4096x128xf32>
    %mul3A = arith.mulf %sub3A_9, %sub3A_9 : vector<4096x128xf32>
    %reduce_sum3A_10 = arith.constant dense<0.000000e+00> : vector<128xf32>
    %reduce_sum3A_11 = vector.multi_reduction <add>, %mul3A, %reduce_sum3A_10 [0] : vector<4096x128xf32> to vector<128xf32>
    %broadcast_in_dim3A_12 = vector.shape_cast %reduce_sum3A_11 : vector<128xf32> to vector<1x128xf32>
    %div3A_13 = arith.constant 4.096000e+03 : f32
    %div3A_14 = vector.broadcast %div3A_13 : f32 to vector<1x128xf32>
    %div3A_15 = arith.divf %broadcast_in_dim3A_12, %div3A_14 : vector<1x128xf32>
    %add3A_16 = arith.constant 1.000000e-03 : f32
    %add3A_17 = vector.broadcast %add3A_16 : f32 to vector<1x128xf32>
    %add3A_18 = arith.addf %div3A_15, %add3A_17 : vector<1x128xf32>
    %rsqrt3A = math.rsqrt %add3A_18 : vector<1x128xf32>
    %mul3A_19 = vector.broadcast %rsqrt3A : vector<1x128xf32> to vector<4096x128xf32>
    %mul3A_20 = arith.mulf %sub3A_9, %mul3A_19 : vector<4096x128xf32>
    %get3A_21 = arith.constant 0 : index
    %get3A_22 = arith.constant 0 : index
    %get3A_23 = vector.load %arg2[%get3A_21, %get3A_22] : memref<4096x1xf32, #tpu.memory_space<vmem>>, vector<4096x1xf32>
    %mul3A_24 = vector.broadcast %get3A_23 : vector<4096x1xf32> to vector<4096x128xf32>
    %mul3A_25 = arith.mulf %mul3A_20, %mul3A_24 : vector<4096x128xf32>
    %get3A_26 = arith.constant 0 : index
    %get3A_27 = arith.constant 0 : index
    %get3A_28 = vector.load %arg3[%get3A_26, %get3A_27] : memref<4096x1xf32, #tpu.memory_space<vmem>>, vector<4096x1xf32>
    %add3A_29 = vector.broadcast %get3A_28 : vector<4096x1xf32> to vector<4096x128xf32>
    %add3A_30 = arith.addf %mul3A_25, %add3A_29 : vector<4096x128xf32>
    %swap3A = arith.constant 0 : index
    %swap3A_31 = arith.constant 0 : index
    %swap3A_32 = vector.load %arg4[%swap3A, %swap3A_31] : memref<4096x128xf32, #tpu.memory_space<vmem>>, vector<4096x128xf32>
    tpu.vector_store %arg4[%swap3A, %swap3A_31], %add3A_30 {strides = array<i32>} : memref<4096x128xf32, #tpu.memory_space<vmem>>, vector<4096x128xf32>,
    return
  }
}

</mosaic_0001>

<sc_bundles>
// kernel: kernel.4.cloned.1.call-start
scs
__scs_entry_jumppad:
0x0: {  	(pc) =	sbr.rel $0x88, $3  }
0x1: {  	(tag) =	ssettag $0x0;
	lr =	simm.s32 $0x1  }
0x2: {  	[smem:$0x3F9C] =	sst lr;
	_ =	strace $0xD0000000  }
0x3: {  	_ = 	snop  }
0x4: {  	_ = 	snop  }
0x5: {  	_ = 	snop  }
0x6: {  	_ = 	snop  }
0x7: {  	_ = 	snop  }
__scs_overlays_trampoline_lowered:
0x8: {  	[smem:$0x3FAB] =	sst s0  }
0x9: {  	[smem:$0x3FAC] =	sst s1  }
0xa: {  	[smem:$0x3FAD] =	sst s2  }
0xb: {  	[smem:$0x3FAE] =	sst s3  }
0xc: {  	[smem:$0x3FAF] =	sst s4  }
0xd: {  	[smem:$0x3FB0] =	sst s5  }
0xe: {  	[smem:$0x3FB1] =	sst s6  }
0xf: {  	[smem:$0x3FB2] =	sst s7  }
0x10: {  	[smem:$0x3FB3] =	sst s8  }
0x11: {  	[smem:$0x3FB4] =	sst s9;
	s0 =	simm.s32 @!p0 $0x0  }
0x12: {  	s1 =	sld [smem:$0x3F9A];
	s0 =	simm.s32 @p0 $0x1  }
0x13: {  	[smem:$0x3FB5] =	sst s0;
	s0 =	simm.s32 @!p1 $0x0  }
0x14: {  	s2 =	sld [smem:$0x3F99];
	s0 =	simm.s32 @p1 $0x1  }
0x15: {  	[smem:$0x3FB6] =	sst s0;
	s0 =	simm.s32 @!p2 $0x0  }
0x16: {  	s3 =	sld [smem:$0x3FDB];
	s0 =	simm.s32 @p2 $0x1  }
0x17: {  	s4 =	simm.s32 $0x1BF5;
	[smem:$0x3FB8] =	sst s0  }
0x18: {  	s0 =	sld [smem:$0x3F9B];
	_ =	swait.ge [sflag:s4], $0x0  }
0x19: {  	s7 =	sld [smem:$0x3F9C]  }
0x1a: {  	s8 =	sadd.s32 $0xFFFFE003, lr  }
0x1b: {  	s9 =	sadd.s32 $0xFFFFFEF7, lr;
	s5 =	simm.s32 $0xFFFFFFFF;
	p2 =	slt.u32 s8, $0xFFFFF086  }
0x1c: {  	p1 =	slt.u32 s9, $0xF7A;
	s5 =	simm.s32 @!p2 $0x0  }
0x1d: {  	s5 =	simm.s32 @p1 $0x1;
	p0 =	seq.s32 s7, s2  }
0x1e: {  	s7 =	smul.u32 @!p0 $0xF7A, s2;
	p2 =	seq.s32 @!p0 s5, $0x0  }
0x1f: {  	s9 =	smul.u32 $0xF7A, s1;
	s8 =	simm.s32 @!p0 $0x1BF5;
	p2 =	por !p2, p0  }
0x20: {  	[sflag:s8] =	ssyncset.s32 @!p0 $0xFFFFF086;
	s6 =	sadd.s32 @!p0 s3, s7;
	s7 =	simm.s32 @!p0 $0x108  }
0x21: {  	s3 =	sadd.s32 s3, s9;
	s6 =	sadd.s32 @!p0 $0x88, s6;
	s7 =	simm.s32 @p2 $0x1082  }
0x22: {  	[simem:s7], [sflag:s8] =	dma.local @!p0 [hbm:s6], $0xF7A  }
0x23: {  	s9 =	sor.u32 $0xD0000000, s2;
	s6 =	simm.s32 $0x108;
	_ =	swait.ge @!p0 [sflag:s8], $0x0  }
0x24: {  	s3 =	sadd.s32 $0x88, s3;
	s6 =	simm.s32 @!p1 $0x1082;
	[sflag:s4] =	ssyncset.s32 $0xFFFFF086  }
0x25: {  	[simem:s6], [sflag:s4] =	dma.local [hbm:s3], $0xF7A  }
0x26: {  	[smem:$0x3F9C] =	sst s1;
	(tag) =	ssettag s2;
	_ =	strace s9  }
0x27: {  	s1 =	sld [smem:$0x3FAC]  }
0x28: {  	s2 =	sld [smem:$0x3FAD]  }
0x29: {  	s4 =	sld [smem:$0x3FAF]  }
0x2a: {  	p0 =	seq.s32 s5, $0x0;
	s5 =	sld [smem:$0x3FB0]  }
0x2b: {  	s6 =	sld [smem:$0x3FB1]  }
0x2c: {  	s7 =	sld [smem:$0x3FB2]  }
0x2d: {  	s3 =	simm.s32 $0x108;
	s8 =	sld [smem:$0x3FB3]  }
0x2e: {  	s3 =	simm.s32 @!p0 $0x1082;
	s9 =	sld [smem:$0x3FB4]  }
0x2f: {  	lr =	sadd.s32 s0, s3;
	s0 =	sld [smem:$0x3FAB]  }
0x30: {  	s3 =	sld [smem:$0x3FAE]  }
0x31: {  	[smem:$0x3FB7] =	sst s10  }
0x32: {  	s10 =	sld [smem:$0x3FB5];
	_ =	sdelay $0x3  }
0x33: {  	p0 =	seq.s32 s10, $0x1;
	s10 =	sld [smem:$0x3FB7];
	_ =	sdelay $0x3  }
0x34: {  	[smem:$0x3FB7] =	sst s10  }
0x35: {  	s10 =	sld [smem:$0x3FB6];
	_ =	sdelay $0x3  }
0x36: {  	p1 =	seq.s32 s10, $0x1;
	s10 =	sld [smem:$0x3FB7];
	_ =	sdelay $0x3  }
0x37: {  	[smem:$0x3FB7] =	sst s10  }
0x38: {  	s10 =	sld [smem:$0x3FB8]  }
0x39: {  	_ = 	snop;
	(pc) =	sbr.ind lr, $3  }
0x3a: {  	_ = 	snop  }
0x3b: {  	_ = 	snop  }
0x3c: {  	p2 =	seq.s32 s10, $0x1;
	s10 =	sld [smem:$0x3FB7]  }
0x3d: {  	_ =	shalt  }
0x3e: {  	_ =	shalt  }
0x3f: {  	_ =	shalt  }
0x40: {  	_ =	shalt  }
0x41: {  	_ =	shalt  }
0x42: {  	_ =	shalt  }
0x43: {  	_ =	shalt  }
0x44: {  	_ =	shalt  }
0x45: {  	_ =	shalt  }
0x46: {  	_ =	shalt  }
0x47: {  	_ =	shalt  }
0x48: {  	_ =	shalt  }
0x49: {  	_ =	shalt  }
0x4a: {  	_ =	shalt  }
0x4b: {  	_ =	shalt  }
0x4c: {  	_ =	shalt  }
0x4d: {  	_ =	shalt  }
0x4e: {  	_ =	shalt  }
0x4f: {  	_ =	shalt  }
0x50: {  	_ =	shalt  }
0x51: {  	_ =	shalt  }
0x52: {  	_ =	shalt  }
0x53: {  	_ =	shalt  }
0x54: {  	_ =	shalt  }
0x55: {  	_ =	shalt  }
0x56: {  	_ =	shalt  }
0x57: {  	_ =	shalt  }
0x58: {  	_ =	shalt  }
0x59: {  	_ =	shalt  }
0x5a: {  	_ =	shalt  }
0x5b: {  	_ =	shalt  }
0x5c: {  	_ =	shalt  }
0x5d: {  	_ =	shalt  }
0x5e: {  	_ =	shalt  }
0x5f: {  	_ =	shalt  }
0x60: {  	_ =	shalt  }
0x61: {  	_ =	shalt  }
0x62: {  	_ =	shalt  }
0x63: {  	_ =	shalt  }
0x64: {  	_ =	shalt  }
0x65: {  	_ =	shalt  }
0x66: {  	_ =	shalt  }
0x67: {  	_ =	shalt  }
0x68: {  	_ =	shalt  }
0x69: {  	_ =	shalt  }
0x6a: {  	_ =	shalt  }
0x6b: {  	_ =	shalt  }
0x6c: {  	_ =	shalt  }
0x6d: {  	_ =	shalt  }
0x6e: {  	_ =	shalt  }
0x6f: {  	_ =	shalt  }
0x70: {  	_ =	shalt  }
0x71: {  	_ =	shalt  }
0x72: {  	_ =	shalt  }
0x73: {  	_ =	shalt  }
0x74: {  	_ =	shalt  }
0x75: {  	_ =	shalt  }
0x76: {  	_ =	shalt  }
0x77: {  	_ =	shalt  }
0x78: {  	_ =	shalt  }
0x79: {  	_ =	shalt  }
0x7a: {  	_ =	shalt  }
0x7b: {  	_ =	shalt  }
0x7c: {  	_ =	shalt  }
0x7d: {  	_ =	shalt  }
0x7e: {  	_ =	shalt  }
0x7f: {  	_ =	shalt  }
0x80: {  	_ =	shalt  }
0x81: {  	_ =	shalt  }
0x82: {  	_ =	shalt  }
0x83: {  	_ =	shalt  }
0x84: {  	_ =	shalt  }
0x85: {  	_ =	shalt  }
0x86: {  	_ =	shalt  }
0x87: {  	_ =	shalt  }
.Lfunc_end0:
.L_simem_size_0:
called_computation_lowered:
.L_overlay_start_0:
0x88: {  	s2 =	sld [smem:$0x3FD9]  }
0x89: {  	s3 =	sld [smem:$0x3FFE];
	_ =	sdelay $0x1  }
0x8a: {  	s1 =	srdreg.scid  }
0x8b: {  	s0 =	sand.u32 $0x1, s1  }
0x8c: {  	s17 =	sshll.u32 s0, $0xA;
	s2 =	sadd.s32 s3, s2  }
0x8d: {  	s2 =	sadd.s32 s2, s17  }
0x8e: {  	[smem:$0x3FC3] =	sst s2  }
0x8f: {  	_ = 	snop  }
0x90: {  	s2 =	sld [smem:$0x3FC8]  }
0x91: {  	s18 =	sld [smem:$0x3FD0];
	(tm) =	ssettm $0x1  }
0x92: {  	s4 =	sld [smem:$0x3FFB];
	_ =	sdelay $0x3  }
0x93: {  	_ =	strace s4  }
0x94: {  	s4 =	sld [smem:$0x3FFC];
	_ =	sdelay $0x3  }
0x95: {  	_ =	strace s4  }
0x96: {  	s4 =	sld [smem:$0x3FFD];
	_ =	sdelay $0x3  }
0x97: {  	_ =	strace s4  }
0x98: {  	_ =	strace $0x8FFFFFFF  }
0x99: {  	s19 =	sld [smem:$0x3FDB];
	_ =	sdelay $0x1  }
0x9a: {  	s5 =	simm.s32 $_scs_section_size  }
0x9b: {  	s6 =	simm.s32 $_size__tile_overlayer_lowered;
	s7 =	simm.s32 $_tile_overlayer_lowered  }
0x9c: {  	s22 =	simm.s32 $0x1BFF;
	s21 =	sshll.u32 s7, $0x1;
	s4 =	sadd.s32 s5, s19  }
0x9d: {  	s8 =	simm.s32 $0x0;
	s20 =	sshll.u32 s6, $0x1;
	s6 =	sadd.s32 s21, s4  }
0x9e: {  	[timem:s8], [sflag:s22] =	dma.local [hbm:s6], s20  }
0x9f: {  	_ =	swait.ge [sflag:s22], s20  }
0xa0: {  	s5 =	ssub.s32 $0x0, s20;
	[sflag:s22] =	ssyncset.done $0x0  }
0xa1: {  	[sflag:s22] =	ssyncadd.s32 s5;
	_ =	sdelay $0x1  }
0xa2: {  	s23 =	simm.s32 $0x1B8B  }
0xa3: {  	_ =	swait.ge [sflag:s23], $0x1  }
0xa4: {  	[sflag:s23] =	ssyncset.done $0x0  }
0xa5: {  	s25 =	simm.s32 $0x1B8E;
	s24 =	sld [smem:$0x3FFE];
	[sflag:s23] =	ssyncadd.s32 $0xFFFFFFFF  }
0xa6: {  	s26 =	simm.s32 $execute0_lowered;
	[smem:$0x3FD2] =	sst s25  }
0xa7: {  	s6 =	sshll.u32 s26, $0x1;
	_ =	strace $0x80000046;
	[dreg:$0x1] =	wrdreg $0xFFFFFFFF  }
0xa8: {  	s28 =	simm.s32 $_size_execute0_lowered;
	s4 =	sadd.s32 s4, s6;
	[dreg:$0x0] =	wrdreg $0x0  }
0xa9: {  	s6 =	sshll.u32 s28, $0x1;
	[dreg:$0x2] =	wrdreg s4  }
0xaa: {  	[dreg:$0x3] =	wrdreg s6  }
0xab: {  	[dreg:$0x4] =	wrdreg $0xC0  }
0xac: {  	_ =	task [dreg:s8], $0x5FFFF  }
0xad: {  	[dreg:$0x1] =	wrdreg $0xFFFFFFFF  }
0xae: {  	[dreg:$0x0] =	wrdreg $0x60  }
0xaf: {  	[dreg:$0x2] =	wrdreg s24  }
0xb0: {  	[dreg:$0x3] =	wrdreg s2  }
0xb1: {  	[dreg:$0x4] =	wrdreg s18  }
0xb2: {  	[dreg:$0x5] =	wrdreg $0x9  }
0xb3: {  	_ =	task.clear_ibuf [dreg:s8], $0x6FFFF;
	_ =	strace $0x90000046  }
0xb4: {  	s29 =	simm.s32 $0x9;
	_ =	strace $0x80000048  }
0xb5: {  	_ =	swait.ge [sflag:s29], $0x1  }
0xb6: {  	[sflag:s29] =	ssyncadd.s32 $0xFFFFFFFF  }
0xb7: {  	_ =	strace $0x90000048  }
0xb8: {  	_ =	sfence  }
0xb9: {  	s30 =	sld [smem:$0x0];
	_ =	sdelay $0x2  }
0xba: {  	s31 =	sshll.u32 s1, $0xD;
	s1 =	sshrl.u32 s1, $0x2  }
0xbb: {  	s3 =	sand.u32 $0x4000, s31;
	s1 =	sadd.s32 s1, s30  }
0xbc: {  	s0 =	sor.u32 s3, s0;
	s1 =	sshll.u32 s1, $0x11  }
0xbd: {  	s0 =	sor.u32 s1, s0  }
0xbe: {  	s0 =	sadd.s32 $0x8F2B, s0  }
0xbf: {  	[sflag:s0] =	ssyncadd.remote.s32 $0x1  }
0xc0: {  	_ =	sfence.sel $0xFFFF  }
0xc1: {  	[dreg:$0x0] =	wrdreg $0xFFFFFFFF;
	(pc) =	sbr.abs _section_cstart, $3  }
0xc2: {  	[dreg:$0x1] =	wrdreg $0xFFFFFFFF  }
0xc3: {  	_ =	task.clear_ibuf [dreg:s8], $0x2FFFF;
	_ =	strace $0x9FFFFFFF  }
0xc4: {  	(tm) =	ssettm $0x7FFFFFFF  }
0xc5: {  	_ =	shalt  }
tec
execute0_lowered:
.L_overlay_start_1:
0x0: {  	(tag) =	ssettag $0x1  }
0x1: {  	s4 =	rddreg [dreg:$0x0]  }
0x2: {  	s2 =	rddreg [dreg:$0x1]  }
0x3: {  	s5 =	rddreg [dreg:$0x2]  }
0x4: {  	s0 =	rddreg [dreg:$0x3]  }
0x5: {  	s6 =	srdreg.scid;
	s1 =	stileid.u32;
	s3 =	simm.s32 $0x0  }
0x6: {  	s10 =	simm.s32 $0x80;
	s11 =	simm.s32 $0x5400;
	s12 =	simm.s32 $0x100  }
0x7: {  	s13 =	simm.s32 $0x8800;
	s14 =	simm.s32 $0x180;
	s15 =	simm.s32 $0xBC00  }
0x8: {  	s16 =	simm.s32 $0x1;
	s17 =	simm.s32 $0x2;
	s18 =	simm.s32 $0x3  }
0x9: {  	s19 =	simm.s32 $0x4;
	s20 =	simm.s32 $0xF000;
	s21 =	simm.s32 $0x0  }
0xa: {  	s6 =	sand.u32 $0x1, s6;
	s7 =	sshll.u32 s1, $0x1;
	[smem:$0x7FF] =	sst s3  }
.Ltmp0:
0xb: {  	s7 =	sor.u32 s6, s7;
	s6 =	ssub.s32 $0x2, s6;
	(pc) =	sbr.rel .LBB2_1-.Ltmp0, $4  }
0xc: {  	_ =	strace $0x80000047;
	s8 =	sshll.u32 s7, $0xA;
	s9 =	sshrl.u32 s6, $0x1  }
0xd: {  	s7 =	sshll.u32 s7, $0xB;
	s4 =	sadd.s32 s8, s4;
	s6 =	ssub.s32 s6, s9  }
0xe: {  	s5 =	sadd.s32 s5, s7;
	s7 =	simm.s32 $0x5;
	s8 =	simm.s32 $0x64  }
0xf: {  	s9 =	simm.s32 $0x2000;
	s4 =	sadd.s32 $0xC00, s4;
	s6 =	smax.u32 s6, $0x1  }
.LBB2_12:
0x10: {  	s21 =	sadd.s32 $0x1, s21  }
0x11: {  	p0 =	sne.s32 s21, s6  }
.Ltmp1:
0x12: {  	_ = 	snop;
	(pc) =	sbr.rel @!p0 .LBB2_13-.Ltmp1, $4  }
0x13: {  	[hbm4b:s5+s3] =	stream.linear.scatter [tilespmem:s20], [sflag:$0x5], $0x4000, $0x38;
	[tilespmem:$0x13000] =	vst v63  }
0x14: {  	_ =	swait.ge [sflag:s7], $0x4000  }
0x15: {  	[sflag:s7] =	ssyncset.done $0x0  }
0x16: {  	[sflag:s7] =	ssyncadd.s32 $0xFFFFC000  }
.LBB2_1:
0x17: {  	[tilespmem:s3], [sflag:$0x5] =	stream.linear.gather [hbm4b:s4+s3], $0x2000, $0x38;
	[tilespmem:$0x13000] =	vst v63  }
0x18: {  	_ =	swait.ge [sflag:s7], $0x2000  }
0x19: {  	[sflag:s7] =	ssyncset.done $0x0  }
0x1a: {  	[sflag:s7] =	ssyncadd.s32 $0xFFFFE000  }
0x1b: {  	[tilespmem:s9], [sflag:$0x1] =	stream.indirect.gather [hbm4b:s2+s8], $0x80, s3, s8, $0xb8;
	[tilespmem:$0x13000] =	vst v63  }
0x1c: {  	_ = 	snop  }
0x1d: {  	[tilespmem:s11], [sflag:$0x2] =	stream.indirect.gather [hbm4b:s2+s8], $0x80, s10, s8, $0xb8;
	[tilespmem:$0x13000] =	vst v63  }
0x1e: {  	_ = 	snop  }
0x1f: {  	[tilespmem:s13], [sflag:$0x3] =	stream.indirect.gather [hbm4b:s2+s8], $0x80, s12, s8, $0xb8;
	[tilespmem:$0x13000] =	vst v63  }
0x20: {  	s22 =	simm.s32 $0x0  }
0x21: {  	[tilespmem:s15], [sflag:$0x4] =	stream.indirect.gather [hbm4b:s2+s8], $0x80, s14, s8, $0xb8;
	[tilespmem:$0x13000] =	vst v63  }
.LBB2_2:
0x22: {  	_ =	swait.ge [sflag:s16], $0x3200  }
0x23: {  	[sflag:s16] =	ssyncset.done $0x0  }
0x24: {  	s25 =	simm.s32 $0x40;
	[sflag:s16] =	ssyncadd.s32 $0xFFFFCE00  }
0x25: {  	v0 =	vld [tilespmem:s25+$0x3930]  }
0x26: {  	v1 =	vld [tilespmem:s25+$0x1FC0]  }
0x27: {  	v2 =	vld [tilespmem:s25+$0x1FD0]  }
0x28: {  	v3 =	vld [tilespmem:s25+$0x1FE0]  }
0x29: {  	v4 =	vld [tilespmem:s25+$0x1FF0]  }
0x2a: {  	v5 =	vld [tilespmem:s25+$0x2000]  }
0x2b: {  	v8 =	vld [tilespmem:s25+$0x2010]  }
0x2c: {  	v10 =	vld [tilespmem:s25+$0x2020]  }
0x2d: {  	v12 =	vld [tilespmem:s25+$0x2030]  }
0x2e: {  	v7 =	vimm.f32 $0.0e+00;
	v14 =	vld [tilespmem:s25+$0x38C0]  }
0x2f: {  	v16 =	vld [tilespmem:s25+$0x38D0];
	v0 =	vadd.f32 v0, v7  }
0x30: {  	v13 =	vadd.f32 v1, v7;
	v11 =	vadd.f32 v2, v7  }
0x31: {  	v20 =	vld [tilespmem:s25+$0x38E0];
	v9 =	vadd.f32 v3, v7;
	v6 =	vadd.f32 v4, v7  }
0x32: {  	v19 =	vld [tilespmem:s25+$0x38F0];
	v4 =	vadd.f32 v5, v7;
	v3 =	vadd.f32 v8, v7  }
0x33: {  	v18 =	vld [tilespmem:s25+$0x3900];
	v2 =	vadd.f32 v10, v7;
	v1 =	vadd.f32 v12, v7  }
0x34: {  	v17 =	vld [tilespmem:s25+$0x3910];
	v15 =	vadd.f32 v14, v7;
	v14 =	vadd.f32 v16, v7;
	v12 =	vimm.f32 $0.0e+00  }
0x35: {  	s23 =	simm.s32 $0xC0;
	s24 =	simm.s32 $0x500;
	v16 =	vld [tilespmem:s25+$0x3920];
	v10 =	vimm.f32 $0.0e+00;
	v8 =	vimm.f32 $0.0e+00;
	v5 =	vimm.f32 $0.0e+00  }
.LBB2_3:
0x36: {  	p0 =	sne.s32 s24, $0x6300;
	v21 =	vld [tilespmem:s23+$0x3930];
	v7 =	vadd.f32 v20, v7  }
0x37: {  	v20 =	vld [tilespmem:s23+$0x1FC0];
	v12 =	vadd.f32 v19, v12  }
0x38: {  	v19 =	vld [tilespmem:s23+$0x1FD0];
	v10 =	vadd.f32 v18, v10  }
0x39: {  	v18 =	vld [tilespmem:s23+$0x1FE0];
	v8 =	vadd.f32 v17, v8  }
0x3a: {  	v17 =	vld [tilespmem:s23+$0x1FF0];
	v5 =	vadd.f32 v16, v5  }
0x3b: {  	v16 =	vld [tilespmem:s23+$0x2000];
	v0 =	vadd.f32 v21, v0  }
0x3c: {  	v13 =	vadd.f32 v20, v13;
	v20 =	vld [tilespmem:s23+$0x2010]  }
0x3d: {  	v11 =	vadd.f32 v19, v11;
	v19 =	vld [tilespmem:s23+$0x2020]  }
0x3e: {  	v9 =	vadd.f32 v18, v9;
	v18 =	vld [tilespmem:s23+$0x2030]  }
0x3f: {  	v6 =	vadd.f32 v17, v6;
	v17 =	vld [tilespmem:s23+$0x38C0]  }
0x40: {  	v4 =	vadd.f32 v16, v4;
	v16 =	vld [tilespmem:s23+$0x38D0]  }
.Ltmp2:
0x41: {  	v3 =	vadd.f32 v20, v3;
	v20 =	vld [tilespmem:s23+$0x38E0];
	(pc) =	sbr.rel @p0 .LBB2_3-.Ltmp2, $4  }
0x42: {  	v2 =	vadd.f32 v19, v2;
	v19 =	vld [tilespmem:s23+$0x38F0]  }
0x43: {  	v1 =	vadd.f32 v18, v1;
	v18 =	vld [tilespmem:s23+$0x3900]  }
0x44: {  	v15 =	vadd.f32 v17, v15;
	v17 =	vld [tilespmem:s23+$0x3910]  }
0x45: {  	v14 =	vadd.f32 v16, v14;
	v16 =	vld [tilespmem:s23+$0x3920];
	s23 =	sshra.s32 s24, $0x2;
	s24 =	sadd.s32 $0x200, s24  }
0x46: {  	v21 =	vld [tilespmem:s23+$0x3930]  }
0x47: {  	v22 =	vld [tilespmem:s23+$0x1FC0]  }
0x48: {  	v23 =	vld [tilespmem:s23+$0x1FD0]  }
0x49: {  	v24 =	vld [tilespmem:s23+$0x1FE0]  }
0x4a: {  	v25 =	vld [tilespmem:s23+$0x1FF0]  }
0x4b: {  	v26 =	vld [tilespmem:s23+$0x2000]  }
0x4c: {  	v27 =	vld [tilespmem:s23+$0x2010]  }
0x4d: {  	v28 =	vld [tilespmem:s23+$0x2020]  }
0x4e: {  	v29 =	vld [tilespmem:s23+$0x38C0]  }
0x4f: {  	v30 =	vld [tilespmem:s23+$0x2030]  }
0x50: {  	v31 =	vld [tilespmem:s23+$0x38D0]  }
0x51: {  	v32 =	vld [tilespmem:s23+$0x38E0]  }
0x52: {  	v63 =	vld [tilespmem:s23+$0x3900];
	v13 =	vadd.f32 v22, v13  }
0x53: {  	v7 =	vadd.f32 v20, v7;
	v20 =	vld [tilespmem:s23+$0x3920];
	v15 =	vadd.f32 v29, v15  }
0x54: {  	s24 =	sshll.u32 s22, $0xA;
	v22 =	vld [tilespmem:s23+$0x38F0];
	v11 =	vadd.f32 v23, v11;
	v13 =	vmul.f32 $1.999999960e-02, v13  }
0x55: {  	v23 =	vld [tilespmem:s23+$0x3910];
	s23 =	sand.u32 $0x3FFFFC00, s24;
	v9 =	vadd.f32 v24, v9;
	v15 =	vmul.f32 $1.999999960e-02, v15  }
0x56: {  	v7 =	vadd.f32 v32, v7;
	v11 =	vmul.f32 $1.999999960e-02, v11;
	[tilespmem:s23+$0xF000] =	vst v13  }
0x57: {  	v6 =	vadd.f32 v25, v6;
	v9 =	vmul.f32 $1.999999960e-02, v9;
	[tilespmem:s23+$0xF080] =	vst v15  }
0x58: {  	v4 =	vadd.f32 v26, v4;
	v7 =	vmul.f32 $1.999999960e-02, v7;
	[tilespmem:s23+$0xF010] =	vst v11  }
0x59: {  	v3 =	vadd.f32 v27, v3;
	v6 =	vmul.f32 $1.999999960e-02, v6;
	[tilespmem:s23+$0xF020] =	vst v9  }
0x5a: {  	v2 =	vadd.f32 v28, v2;
	v4 =	vmul.f32 $1.999999960e-02, v4;
	[tilespmem:s23+$0xF0A0] =	vst v7  }
0x5b: {  	v1 =	vadd.f32 v30, v1;
	v3 =	vmul.f32 $1.999999960e-02, v3;
	[tilespmem:s23+$0xF030] =	vst v6  }
0x5c: {  	v5 =	vadd.f32 v16, v5;
	v0 =	vadd.f32 v21, v0;
	v2 =	vmul.f32 $1.999999960e-02, v2;
	[tilespmem:s23+$0xF040] =	vst v4  }
0x5d: {  	v12 =	vadd.f32 v19, v12;
	v14 =	vadd.f32 v31, v14;
	v1 =	vmul.f32 $1.999999960e-02, v1;
	[tilespmem:s23+$0xF050] =	vst v3  }
0x5e: {  	v8 =	vadd.f32 v17, v8;
	v0 =	vmul.f32 $1.999999960e-02, v0;
	v4 =	vadd.f32 v20, v5;
	[tilespmem:s23+$0xF060] =	vst v2  }
0x5f: {  	v10 =	vadd.f32 v18, v10;
	v13 =	vmul.f32 $1.999999960e-02, v14;
	[tilespmem:s23+$0xF070] =	vst v1;
	v11 =	vadd.f32 v22, v12  }
0x60: {  	[tilespmem:s23+$0xF0F0] =	vst v0;
	v6 =	vadd.f32 v23, v8;
	v3 =	vmul.f32 $1.999999960e-02, v4  }
0x61: {  	v9 =	vadd.f32 v63, v10;
	[tilespmem:s23+$0xF090] =	vst v13;
	v7 =	vmul.f32 $1.999999960e-02, v11  }
0x62: {  	v5 =	vmul.f32 $1.999999960e-02, v6;
	[tilespmem:s23+$0xF0E0] =	vst v3  }
0x63: {  	p0 =	seq.s32 s22, $0xF;
	s24 =	sshll.u32 s22, $0xB;
	[tilespmem:s23+$0xF0B0] =	vst v7;
	v7 =	vmul.f32 $1.999999960e-02, v9  }
0x64: {  	s25 =	sshrl.u32 @!p0 s24, $0x2;
	[tilespmem:s23+$0xF0D0] =	vst v5  }
0x65: {  	s28 =	simm.s32 @!p0 $0x64;
	s29 =	simm.s32 @!p0 $0x2000;
	s26 =	sadd.s32 @!p0 $0x200, s25;
	[tilespmem:s23+$0xF0C0] =	vst v7  }
0x66: {  	[tilespmem:s29], [sflag:$0x1] =	stream.indirect.gather @!p0 [hbm4b:s2+s28], $0x80, s26, s28, $0xb8;
	[tilespmem:$0x13000] =	vst v63  }
0x67: {  	_ =	swait.ge [sflag:s17], $0x3200  }
0x68: {  	[sflag:s17] =	ssyncset.done $0x0  }
0x69: {  	s31 =	simm.s32 $0x40;
	[sflag:s17] =	ssyncadd.s32 $0xFFFFCE00  }
0x6a: {  	v0 =	vld [tilespmem:s31+$0x6D30]  }
0x6b: {  	v1 =	vld [tilespmem:s31+$0x53C0]  }
0x6c: {  	v2 =	vld [tilespmem:s31+$0x53D0]  }
0x6d: {  	v3 =	vld [tilespmem:s31+$0x53E0]  }
0x6e: {  	v4 =	vld [tilespmem:s31+$0x53F0]  }
0x6f: {  	v5 =	vld [tilespmem:s31+$0x5400]  }
0x70: {  	v8 =	vld [tilespmem:s31+$0x5410]  }
0x71: {  	v10 =	vld [tilespmem:s31+$0x5420]  }
0x72: {  	v12 =	vld [tilespmem:s31+$0x5430]  }
0x73: {  	v7 =	vimm.f32 $0.0e+00;
	v14 =	vld [tilespmem:s31+$0x6CC0]  }
0x74: {  	v16 =	vld [tilespmem:s31+$0x6CD0];
	v0 =	vadd.f32 v0, v7  }
0x75: {  	v13 =	vadd.f32 v1, v7;
	v11 =	vadd.f32 v2, v7  }
0x76: {  	v20 =	vld [tilespmem:s31+$0x6CE0];
	v9 =	vadd.f32 v3, v7;
	v6 =	vadd.f32 v4, v7  }
0x77: {  	v19 =	vld [tilespmem:s31+$0x6CF0];
	v4 =	vadd.f32 v5, v7;
	v3 =	vadd.f32 v8, v7  }
0x78: {  	v18 =	vld [tilespmem:s31+$0x6D00];
	v2 =	vadd.f32 v10, v7;
	v1 =	vadd.f32 v12, v7  }
0x79: {  	v17 =	vld [tilespmem:s31+$0x6D10];
	v15 =	vadd.f32 v14, v7;
	v14 =	vadd.f32 v16, v7;
	v12 =	vimm.f32 $0.0e+00  }
0x7a: {  	s26 =	simm.s32 $0xC0;
	s28 =	simm.s32 $0x500;
	v16 =	vld [tilespmem:s31+$0x6D20];
	v10 =	vimm.f32 $0.0e+00;
	v8 =	vimm.f32 $0.0e+00;
	v5 =	vimm.f32 $0.0e+00  }
.LBB2_5:
0x7b: {  	p1 =	sne.s32 s28, $0x6300;
	v21 =	vld [tilespmem:s26+$0x6D30];
	v7 =	vadd.f32 v20, v7  }
0x7c: {  	v20 =	vld [tilespmem:s26+$0x53C0];
	v12 =	vadd.f32 v19, v12  }
0x7d: {  	v19 =	vld [tilespmem:s26+$0x53D0];
	v10 =	vadd.f32 v18, v10  }
0x7e: {  	v18 =	vld [tilespmem:s26+$0x53E0];
	v8 =	vadd.f32 v17, v8  }
0x7f: {  	v17 =	vld [tilespmem:s26+$0x53F0];
	v5 =	vadd.f32 v16, v5  }
0x80: {  	v16 =	vld [tilespmem:s26+$0x5400];
	v0 =	vadd.f32 v21, v0  }
0x81: {  	v13 =	vadd.f32 v20, v13;
	v20 =	vld [tilespmem:s26+$0x5410]  }
0x82: {  	v11 =	vadd.f32 v19, v11;
	v19 =	vld [tilespmem:s26+$0x5420]  }
0x83: {  	v9 =	vadd.f32 v18, v9;
	v18 =	vld [tilespmem:s26+$0x5430]  }
0x84: {  	v6 =	vadd.f32 v17, v6;
	v17 =	vld [tilespmem:s26+$0x6CC0]  }
0x85: {  	v4 =	vadd.f32 v16, v4;
	v16 =	vld [tilespmem:s26+$0x6CD0]  }
.Ltmp3:
0x86: {  	v3 =	vadd.f32 v20, v3;
	v20 =	vld [tilespmem:s26+$0x6CE0];
	(pc) =	sbr.rel @p1 .LBB2_5-.Ltmp3, $4  }
0x87: {  	v2 =	vadd.f32 v19, v2;
	v19 =	vld [tilespmem:s26+$0x6CF0]  }
0x88: {  	v1 =	vadd.f32 v18, v1;
	v18 =	vld [tilespmem:s26+$0x6D00]  }
0x89: {  	v15 =	vadd.f32 v17, v15;
	v17 =	vld [tilespmem:s26+$0x6D10]  }
0x8a: {  	v14 =	vadd.f32 v16, v14;
	v16 =	vld [tilespmem:s26+$0x6D20];
	s26 =	sshra.s32 s28, $0x2;
	s28 =	sadd.s32 $0x200, s28  }
0x8b: {  	v21 =	vld [tilespmem:s26+$0x6D30]  }
0x8c: {  	v22 =	vld [tilespmem:s26+$0x53C0]  }
0x8d: {  	v23 =	vld [tilespmem:s26+$0x53D0]  }
0x8e: {  	v24 =	vld [tilespmem:s26+$0x53E0]  }
0x8f: {  	v25 =	vld [tilespmem:s26+$0x53F0]  }
0x90: {  	v26 =	vld [tilespmem:s26+$0x5400]  }
0x91: {  	v27 =	vld [tilespmem:s26+$0x5410]  }
0x92: {  	v29 =	vld [tilespmem:s26+$0x6CC0]  }
0x93: {  	v28 =	vld [tilespmem:s26+$0x5420]  }
0x94: {  	v30 =	vld [tilespmem:s26+$0x5430]  }
0x95: {  	v32 =	vld [tilespmem:s26+$0x6CE0]  }
0x96: {  	v31 =	vld [tilespmem:s26+$0x6CD0];
	v13 =	vadd.f32 v22, v13  }
0x97: {  	v63 =	vld [tilespmem:s26+$0x6D00];
	v15 =	vadd.f32 v29, v15  }
0x98: {  	v7 =	vadd.f32 v20, v7;
	v20 =	vld [tilespmem:s26+$0x6D20];
	v11 =	vadd.f32 v23, v11;
	v13 =	vmul.f32 $1.999999960e-02, v13  }
0x99: {  	v22 =	vld [tilespmem:s26+$0x6CF0];
	v9 =	vadd.f32 v24, v9;
	v15 =	vmul.f32 $1.999999960e-02, v15  }
0x9a: {  	v23 =	vld [tilespmem:s26+$0x6D10];
	v7 =	vadd.f32 v32, v7;
	v11 =	vmul.f32 $1.999999960e-02, v11;
	[tilespmem:s23+$0xF100] =	vst v13  }
0x9b: {  	v6 =	vadd.f32 v25, v6;
	v9 =	vmul.f32 $1.999999960e-02, v9;
	[tilespmem:s23+$0xF180] =	vst v15  }
0x9c: {  	v4 =	vadd.f32 v26, v4;
	v7 =	vmul.f32 $1.999999960e-02, v7;
	[tilespmem:s23+$0xF110] =	vst v11  }
0x9d: {  	v3 =	vadd.f32 v27, v3;
	v6 =	vmul.f32 $1.999999960e-02, v6;
	[tilespmem:s23+$0xF120] =	vst v9  }
0x9e: {  	v2 =	vadd.f32 v28, v2;
	v4 =	vmul.f32 $1.999999960e-02, v4;
	[tilespmem:s23+$0xF1A0] =	vst v7  }
0x9f: {  	v1 =	vadd.f32 v30, v1;
	v3 =	vmul.f32 $1.999999960e-02, v3;
	[tilespmem:s23+$0xF130] =	vst v6  }
0xa0: {  	v5 =	vadd.f32 v16, v5;
	v0 =	vadd.f32 v21, v0;
	v2 =	vmul.f32 $1.999999960e-02, v2;
	[tilespmem:s23+$0xF140] =	vst v4  }
0xa1: {  	v12 =	vadd.f32 v19, v12;
	v14 =	vadd.f32 v31, v14;
	v1 =	vmul.f32 $1.999999960e-02, v1;
	[tilespmem:s23+$0xF150] =	vst v3  }
0xa2: {  	v8 =	vadd.f32 v17, v8;
	v0 =	vmul.f32 $1.999999960e-02, v0;
	v4 =	vadd.f32 v20, v5;
	[tilespmem:s23+$0xF160] =	vst v2  }
0xa3: {  	v10 =	vadd.f32 v18, v10;
	v13 =	vmul.f32 $1.999999960e-02, v14;
	[tilespmem:s23+$0xF170] =	vst v1;
	v11 =	vadd.f32 v22, v12  }
0xa4: {  	[tilespmem:s23+$0xF1F0] =	vst v0;
	v6 =	vadd.f32 v23, v8;
	v3 =	vmul.f32 $1.999999960e-02, v4  }
0xa5: {  	v9 =	vadd.f32 v63, v10;
	[tilespmem:s23+$0xF190] =	vst v13;
	v7 =	vmul.f32 $1.999999960e-02, v11  }
0xa6: {  	v5 =	vmul.f32 $1.999999960e-02, v6;
	[tilespmem:s23+$0xF1E0] =	vst v3  }
0xa7: {  	[tilespmem:s23+$0xF1B0] =	vst v7;
	v7 =	vmul.f32 $1.999999960e-02, v9  }
0xa8: {  	[tilespmem:s23+$0xF1D0] =	vst v5  }
0xa9: {  	s28 =	simm.s32 @!p0 $0x64;
	s29 =	simm.s32 @!p0 $0x5400;
	s26 =	sadd.s32 @!p0 $0x280, s25;
	[tilespmem:s23+$0xF1C0] =	vst v7  }
0xaa: {  	[tilespmem:s29], [sflag:$0x2] =	stream.indirect.gather @!p0 [hbm4b:s2+s28], $0x80, s26, s28, $0xb8;
	[tilespmem:$0x13000] =	vst v63  }
0xab: {  	_ =	swait.ge [sflag:s18], $0x3200  }
0xac: {  	[sflag:s18] =	ssyncset.done $0x0  }
0xad: {  	s31 =	simm.s32 $0x40;
	[sflag:s18] =	ssyncadd.s32 $0xFFFFCE00  }
0xae: {  	v0 =	vld [tilespmem:s31+$0xA130]  }
0xaf: {  	v1 =	vld [tilespmem:s31+$0x87C0]  }
0xb0: {  	v2 =	vld [tilespmem:s31+$0x87D0]  }
0xb1: {  	v3 =	vld [tilespmem:s31+$0x87E0]  }
0xb2: {  	v4 =	vld [tilespmem:s31+$0x87F0]  }
0xb3: {  	v5 =	vld [tilespmem:s31+$0x8800]  }
0xb4: {  	v8 =	vld [tilespmem:s31+$0x8810]  }
0xb5: {  	v10 =	vld [tilespmem:s31+$0x8820]  }
0xb6: {  	v12 =	vld [tilespmem:s31+$0x8830]  }
0xb7: {  	v7 =	vimm.f32 $0.0e+00;
	v14 =	vld [tilespmem:s31+$0xA0C0]  }
0xb8: {  	v16 =	vld [tilespmem:s31+$0xA0D0];
	v0 =	vadd.f32 v0, v7  }
0xb9: {  	v13 =	vadd.f32 v1, v7;
	v11 =	vadd.f32 v2, v7  }
0xba: {  	v20 =	vld [tilespmem:s31+$0xA0E0];
	v9 =	vadd.f32 v3, v7;
	v6 =	vadd.f32 v4, v7  }
0xbb: {  	v19 =	vld [tilespmem:s31+$0xA0F0];
	v4 =	vadd.f32 v5, v7;
	v3 =	vadd.f32 v8, v7  }
0xbc: {  	v18 =	vld [tilespmem:s31+$0xA100];
	v2 =	vadd.f32 v10, v7;
	v1 =	vadd.f32 v12, v7  }
0xbd: {  	v17 =	vld [tilespmem:s31+$0xA110];
	v15 =	vadd.f32 v14, v7;
	v14 =	vadd.f32 v16, v7;
	v12 =	vimm.f32 $0.0e+00  }
0xbe: {  	s26 =	simm.s32 $0xC0;
	s28 =	simm.s32 $0x500;
	v16 =	vld [tilespmem:s31+$0xA120];
	v10 =	vimm.f32 $0.0e+00;
	v8 =	vimm.f32 $0.0e+00;
	v5 =	vimm.f32 $0.0e+00  }
.LBB2_7:
0xbf: {  	p1 =	sne.s32 s28, $0x6300;
	v21 =	vld [tilespmem:s26+$0xA130];
	v7 =	vadd.f32 v20, v7  }
0xc0: {  	v20 =	vld [tilespmem:s26+$0x87C0];
	v12 =	vadd.f32 v19, v12  }
0xc1: {  	v19 =	vld [tilespmem:s26+$0x87D0];
	v10 =	vadd.f32 v18, v10  }
0xc2: {  	v18 =	vld [tilespmem:s26+$0x87E0];
	v8 =	vadd.f32 v17, v8  }
0xc3: {  	v17 =	vld [tilespmem:s26+$0x87F0];
	v5 =	vadd.f32 v16, v5  }
0xc4: {  	v16 =	vld [tilespmem:s26+$0x8800];
	v0 =	vadd.f32 v21, v0  }
0xc5: {  	v13 =	vadd.f32 v20, v13;
	v20 =	vld [tilespmem:s26+$0x8810]  }
0xc6: {  	v11 =	vadd.f32 v19, v11;
	v19 =	vld [tilespmem:s26+$0x8820]  }
0xc7: {  	v9 =	vadd.f32 v18, v9;
	v18 =	vld [tilespmem:s26+$0x8830]  }
0xc8: {  	v6 =	vadd.f32 v17, v6;
	v17 =	vld [tilespmem:s26+$0xA0C0]  }
0xc9: {  	v4 =	vadd.f32 v16, v4;
	v16 =	vld [tilespmem:s26+$0xA0D0]  }
.Ltmp4:
0xca: {  	v3 =	vadd.f32 v20, v3;
	v20 =	vld [tilespmem:s26+$0xA0E0];
	(pc) =	sbr.rel @p1 .LBB2_7-.Ltmp4, $4  }
0xcb: {  	v2 =	vadd.f32 v19, v2;
	v19 =	vld [tilespmem:s26+$0xA0F0]  }
0xcc: {  	v1 =	vadd.f32 v18, v1;
	v18 =	vld [tilespmem:s26+$0xA100]  }
0xcd: {  	v15 =	vadd.f32 v17, v15;
	v17 =	vld [tilespmem:s26+$0xA110]  }
0xce: {  	v14 =	vadd.f32 v16, v14;
	v16 =	vld [tilespmem:s26+$0xA120];
	s26 =	sshra.s32 s28, $0x2;
	s28 =	sadd.s32 $0x200, s28  }
0xcf: {  	v21 =	vld [tilespmem:s26+$0xA130]  }
0xd0: {  	v22 =	vld [tilespmem:s26+$0x87C0]  }
0xd1: {  	v23 =	vld [tilespmem:s26+$0x87D0]  }
0xd2: {  	v24 =	vld [tilespmem:s26+$0x87E0]  }
0xd3: {  	v25 =	vld [tilespmem:s26+$0x87F0]  }
0xd4: {  	v26 =	vld [tilespmem:s26+$0x8800]  }
0xd5: {  	v27 =	vld [tilespmem:s26+$0x8810]  }
0xd6: {  	v29 =	vld [tilespmem:s26+$0xA0C0]  }
0xd7: {  	v28 =	vld [tilespmem:s26+$0x8820]  }
0xd8: {  	v30 =	vld [tilespmem:s26+$0x8830]  }
0xd9: {  	v32 =	vld [tilespmem:s26+$0xA0E0]  }
0xda: {  	v31 =	vld [tilespmem:s26+$0xA0D0];
	v13 =	vadd.f32 v22, v13  }
0xdb: {  	v63 =	vld [tilespmem:s26+$0xA100];
	v15 =	vadd.f32 v29, v15  }
0xdc: {  	v7 =	vadd.f32 v20, v7;
	v20 =	vld [tilespmem:s26+$0xA120];
	v11 =	vadd.f32 v23, v11;
	v13 =	vmul.f32 $1.999999960e-02, v13  }
0xdd: {  	v22 =	vld [tilespmem:s26+$0xA0F0];
	v9 =	vadd.f32 v24, v9;
	v15 =	vmul.f32 $1.999999960e-02, v15  }
0xde: {  	v23 =	vld [tilespmem:s26+$0xA110];
	v7 =	vadd.f32 v32, v7;
	v11 =	vmul.f32 $1.999999960e-02, v11;
	[tilespmem:s23+$0xF200] =	vst v13  }
0xdf: {  	v6 =	vadd.f32 v25, v6;
	v9 =	vmul.f32 $1.999999960e-02, v9;
	[tilespmem:s23+$0xF280] =	vst v15  }
0xe0: {  	v4 =	vadd.f32 v26, v4;
	v7 =	vmul.f32 $1.999999960e-02, v7;
	[tilespmem:s23+$0xF210] =	vst v11  }
0xe1: {  	v3 =	vadd.f32 v27, v3;
	v6 =	vmul.f32 $1.999999960e-02, v6;
	[tilespmem:s23+$0xF220] =	vst v9  }
0xe2: {  	v2 =	vadd.f32 v28, v2;
	v4 =	vmul.f32 $1.999999960e-02, v4;
	[tilespmem:s23+$0xF2A0] =	vst v7  }
0xe3: {  	v1 =	vadd.f32 v30, v1;
	v3 =	vmul.f32 $1.999999960e-02, v3;
	[tilespmem:s23+$0xF230] =	vst v6  }
0xe4: {  	v5 =	vadd.f32 v16, v5;
	v0 =	vadd.f32 v21, v0;
	v2 =	vmul.f32 $1.999999960e-02, v2;
	[tilespmem:s23+$0xF240] =	vst v4  }
0xe5: {  	v12 =	vadd.f32 v19, v12;
	v14 =	vadd.f32 v31, v14;
	v1 =	vmul.f32 $1.999999960e-02, v1;
	[tilespmem:s23+$0xF250] =	vst v3  }
0xe6: {  	v8 =	vadd.f32 v17, v8;
	v0 =	vmul.f32 $1.999999960e-02, v0;
	v4 =	vadd.f32 v20, v5;
	[tilespmem:s23+$0xF260] =	vst v2  }
0xe7: {  	v10 =	vadd.f32 v18, v10;
	v13 =	vmul.f32 $1.999999960e-02, v14;
	[tilespmem:s23+$0xF270] =	vst v1;
	v11 =	vadd.f32 v22, v12  }
0xe8: {  	[tilespmem:s23+$0xF2F0] =	vst v0;
	v6 =	vadd.f32 v23, v8;
	v3 =	vmul.f32 $1.999999960e-02, v4  }
0xe9: {  	v9 =	vadd.f32 v63, v10;
	[tilespmem:s23+$0xF290] =	vst v13;
	v7 =	vmul.f32 $1.999999960e-02, v11  }
0xea: {  	v5 =	vmul.f32 $1.999999960e-02, v6;
	[tilespmem:s23+$0xF2E0] =	vst v3  }
0xeb: {  	[tilespmem:s23+$0xF2B0] =	vst v7;
	v7 =	vmul.f32 $1.999999960e-02, v9  }
0xec: {  	[tilespmem:s23+$0xF2D0] =	vst v5  }
0xed: {  	s25 =	sadd.s32 @!p0 $0x300, s25;
	s28 =	simm.s32 @!p0 $0x8800;
	s26 =	simm.s32 @!p0 $0x64;
	[tilespmem:s23+$0xF2C0] =	vst v7  }
0xee: {  	[tilespmem:s28], [sflag:$0x3] =	stream.indirect.gather @!p0 [hbm4b:s2+s26], $0x80, s25, s26, $0xb8;
	[tilespmem:$0x13000] =	vst v63  }
0xef: {  	_ =	swait.ge [sflag:s19], $0x3200  }
0xf0: {  	[sflag:s19] =	ssyncset.done $0x0  }
0xf1: {  	s31 =	simm.s32 $0x40;
	[sflag:s19] =	ssyncadd.s32 $0xFFFFCE00  }
0xf2: {  	v0 =	vld [tilespmem:s31+$0xD530]  }
0xf3: {  	v1 =	vld [tilespmem:s31+$0xBBC0]  }
0xf4: {  	v2 =	vld [tilespmem:s31+$0xBBD0]  }
0xf5: {  	v3 =	vld [tilespmem:s31+$0xBBE0]  }
0xf6: {  	v4 =	vld [tilespmem:s31+$0xBBF0]  }
0xf7: {  	v5 =	vld [tilespmem:s31+$0xBC00]  }
0xf8: {  	v8 =	vld [tilespmem:s31+$0xBC10]  }
0xf9: {  	v10 =	vld [tilespmem:s31+$0xBC20]  }
0xfa: {  	v12 =	vld [tilespmem:s31+$0xBC30]  }
0xfb: {  	v7 =	vimm.f32 $0.0e+00;
	v14 =	vld [tilespmem:s31+$0xD4C0]  }
0xfc: {  	v16 =	vld [tilespmem:s31+$0xD4D0];
	v0 =	vadd.f32 v0, v7  }
0xfd: {  	v13 =	vadd.f32 v1, v7;
	v11 =	vadd.f32 v2, v7  }
0xfe: {  	v20 =	vld [tilespmem:s31+$0xD4E0];
	v9 =	vadd.f32 v3, v7;
	v6 =	vadd.f32 v4, v7  }
0xff: {  	v19 =	vld [tilespmem:s31+$0xD4F0];
	v4 =	vadd.f32 v5, v7;
	v3 =	vadd.f32 v8, v7  }
0x100: {  	v18 =	vld [tilespmem:s31+$0xD500];
	v2 =	vadd.f32 v10, v7;
	v1 =	vadd.f32 v12, v7  }
0x101: {  	v17 =	vld [tilespmem:s31+$0xD510];
	v15 =	vadd.f32 v14, v7;
	v14 =	vadd.f32 v16, v7;
	v12 =	vimm.f32 $0.0e+00  }
0x102: {  	s25 =	simm.s32 $0xC0;
	s26 =	simm.s32 $0x500;
	v16 =	vld [tilespmem:s31+$0xD520];
	v10 =	vimm.f32 $0.0e+00;
	v8 =	vimm.f32 $0.0e+00;
	v5 =	vimm.f32 $0.0e+00  }
.LBB2_9:
0x103: {  	p1 =	sne.s32 s26, $0x6300;
	v21 =	vld [tilespmem:s25+$0xD530];
	v7 =	vadd.f32 v20, v7  }
0x104: {  	v20 =	vld [tilespmem:s25+$0xBBC0];
	v12 =	vadd.f32 v19, v12  }
0x105: {  	v19 =	vld [tilespmem:s25+$0xBBD0];
	v10 =	vadd.f32 v18, v10  }
0x106: {  	v18 =	vld [tilespmem:s25+$0xBBE0];
	v8 =	vadd.f32 v17, v8  }
0x107: {  	v17 =	vld [tilespmem:s25+$0xBBF0];
	v5 =	vadd.f32 v16, v5  }
0x108: {  	v16 =	vld [tilespmem:s25+$0xBC00];
	v0 =	vadd.f32 v21, v0  }
0x109: {  	v13 =	vadd.f32 v20, v13;
	v20 =	vld [tilespmem:s25+$0xBC10]  }
0x10a: {  	v11 =	vadd.f32 v19, v11;
	v19 =	vld [tilespmem:s25+$0xBC20]  }
0x10b: {  	v9 =	vadd.f32 v18, v9;
	v18 =	vld [tilespmem:s25+$0xBC30]  }
0x10c: {  	v6 =	vadd.f32 v17, v6;
	v17 =	vld [tilespmem:s25+$0xD4C0]  }
0x10d: {  	v4 =	vadd.f32 v16, v4;
	v16 =	vld [tilespmem:s25+$0xD4D0]  }
.Ltmp5:
0x10e: {  	v3 =	vadd.f32 v20, v3;
	v20 =	vld [tilespmem:s25+$0xD4E0];
	(pc) =	sbr.rel @p1 .LBB2_9-.Ltmp5, $4  }
0x10f: {  	v2 =	vadd.f32 v19, v2;
	v19 =	vld [tilespmem:s25+$0xD4F0]  }
0x110: {  	v1 =	vadd.f32 v18, v1;
	v18 =	vld [tilespmem:s25+$0xD500]  }
0x111: {  	v15 =	vadd.f32 v17, v15;
	v17 =	vld [tilespmem:s25+$0xD510]  }
0x112: {  	v14 =	vadd.f32 v16, v14;
	v16 =	vld [tilespmem:s25+$0xD520];
	s25 =	sshra.s32 s26, $0x2;
	s26 =	sadd.s32 $0x200, s26  }
0x113: {  	v21 =	vld [tilespmem:s25+$0xD530]  }
0x114: {  	v22 =	vld [tilespmem:s25+$0xBBC0]  }
0x115: {  	v23 =	vld [tilespmem:s25+$0xBBD0]  }
0x116: {  	v24 =	vld [tilespmem:s25+$0xBBE0]  }
0x117: {  	v25 =	vld [tilespmem:s25+$0xBBF0]  }
0x118: {  	v26 =	vld [tilespmem:s25+$0xBC00]  }
0x119: {  	v27 =	vld [tilespmem:s25+$0xBC10]  }
0x11a: {  	v29 =	vld [tilespmem:s25+$0xD4C0]  }
0x11b: {  	v28 =	vld [tilespmem:s25+$0xBC20]  }
0x11c: {  	v31 =	vld [tilespmem:s25+$0xD4D0]  }
0x11d: {  	v30 =	vld [tilespmem:s25+$0xBC30]  }
0x11e: {  	v32 =	vld [tilespmem:s25+$0xD4E0];
	v13 =	vadd.f32 v22, v13  }
0x11f: {  	v51 =	vld [tilespmem:s25+$0xD4F0];
	v15 =	vadd.f32 v29, v15  }
0x120: {  	v52 =	vld [tilespmem:s25+$0xD500];
	v11 =	vadd.f32 v23, v11;
	v13 =	vmul.f32 $1.999999960e-02, v13  }
0x121: {  	v53 =	vld [tilespmem:s25+$0xD510];
	v7 =	vadd.f32 v20, v7;
	v14 =	vadd.f32 v31, v14;
	v15 =	vmul.f32 $1.999999960e-02, v15  }
0x122: {  	v54 =	vld [tilespmem:s25+$0xD520];
	v9 =	vadd.f32 v24, v9;
	v11 =	vmul.f32 $1.999999960e-02, v11;
	[tilespmem:s23+$0xF300] =	vst v13  }
0x123: {  	v12 =	vadd.f32 v19, v12;
	v7 =	vadd.f32 v32, v7;
	v55 =	vmul.f32 $1.999999960e-02, v14;
	[tilespmem:s23+$0xF380] =	vst v15  }
0x124: {  	v6 =	vadd.f32 v25, v6;
	v9 =	vmul.f32 $1.999999960e-02, v9;
	[tilespmem:s23+$0xF310] =	vst v11  }
0x125: {  	v10 =	vadd.f32 v18, v10;
	v56 =	vadd.f32 v51, v12;
	v7 =	vmul.f32 $1.999999960e-02, v7;
	[tilespmem:s23+$0xF390] =	vst v55  }
0x126: {  	v4 =	vadd.f32 v26, v4;
	v6 =	vmul.f32 $1.999999960e-02, v6;
	[tilespmem:s23+$0xF320] =	vst v9  }
0x127: {  	v8 =	vadd.f32 v17, v8;
	v57 =	vadd.f32 v52, v10;
	v58 =	vmul.f32 $1.999999960e-02, v56;
	[tilespmem:s23+$0xF3A0] =	vst v7  }
0x128: {  	v3 =	vadd.f32 v27, v3;
	v4 =	vmul.f32 $1.999999960e-02, v4;
	[tilespmem:s23+$0xF330] =	vst v6  }
0x129: {  	v59 =	vadd.f32 v53, v8;
	v60 =	vmul.f32 $1.999999960e-02, v57;
	[tilespmem:s23+$0xF3B0] =	vst v58  }
0x12a: {  	v2 =	vadd.f32 v28, v2;
	v3 =	vmul.f32 $1.999999960e-02, v3;
	[tilespmem:s23+$0xF340] =	vst v4  }
0x12b: {  	v5 =	vadd.f32 v16, v5;
	v1 =	vadd.f32 v30, v1;
	v62 =	vmul.f32 $1.999999960e-02, v59;
	[tilespmem:s23+$0xF3C0] =	vst v60  }
0x12c: {  	v0 =	vadd.f32 v21, v0;
	v2 =	vmul.f32 $1.999999960e-02, v2;
	[tilespmem:s23+$0xF350] =	vst v3  }
.Ltmp6:
0x12d: {  	v61 =	vadd.f32 v54, v5;
	v1 =	vmul.f32 $1.999999960e-02, v1;
	[tilespmem:s23+$0xF3D0] =	vst v62;
	(pc) =	sbr.rel @p0 .LBB2_12-.Ltmp6, $4  }
0x12e: {  	v0 =	vmul.f32 $1.999999960e-02, v0;
	[tilespmem:s23+$0xF360] =	vst v2  }
0x12f: {  	v63 =	vmul.f32 $1.999999960e-02, v61;
	[tilespmem:s23+$0xF370] =	vst v1  }
0x130: {  	[tilespmem:s23+$0xF3F0] =	vst v0  }
0x131: {  	[tilespmem:s23+$0xF3E0] =	vst v63  }
.Ltmp7:
0x132: {  	(pc) =	sbr.rel .LBB2_2-.Ltmp7, $4  }
0x133: {  	_ = 	snop  }
0x134: {  	s23 =	sshrl.u32 s24, $0x2  }
0x135: {  	s22 =	sadd.s32 $0x1, s22;
	s23 =	sadd.s32 $0x380, s23  }
0x136: {  	[tilespmem:s15], [sflag:$0x4] =	stream.indirect.gather [hbm4b:s2+s8], $0x80, s23, s8, $0xb8;
	[tilespmem:$0x13000] =	vst v63  }
.LBB2_13:
0x137: {  	_ =	sfence.sel $0x180000  }
0x138: {  	[bflag:$0x0] =	sbarrier.arrive $0xFFFF  }
0x139: {  	p0 =	sne.s32 s1, $0x0;
	_ =	strace $0x90000047  }
0x13a: {  	s0 =	sadd.s32 @!p0 $0x100000, s0;
	[bflag:$0x2] =	sbarrier.arrive $0xFFFF  }
0x13b: {  	[sflag:s0] =	ssyncadd.tile.s32 @!p0 $0x1;
	_ =	shalt  }
.Lfunc_end2:
_tile_overlayer_lowered:
.L_overlay_start_2:
0x13c: {  	(tag) =	ssettag $0x2  }
0x13d: {  	s0 =	rddreg [dreg:$0x0];
	s2 =	stileid.u32  }
0x13e: {  	s1 =	rddreg [dreg:$0x1];
	p0 =	sne.s32 s2, $0x0  }
0x13f: {  	s3 =	rddreg [dreg:$0x2];
	[bflag:$0x3] =	sbarrier.arrive $0xFFFF;
	s2 =	simm.s32 @!p0 $0x1C05  }
0x140: {  	[timem:s3], [sflag:s2] =	dma.local @!p0 [hbm:s0], s1  }
0x141: {  	s0 =	simm.s32 @!p0 $0x5  }
0x142: {  	_ =	swait.ge @!p0 [sflag:s0], s1  }
0x143: {  	s1 =	ssub.s32 @!p0 $0x0, s1;
	[sflag:s0] =	ssyncset.done @!p0 $0x0  }
0x144: {  	[sflag:s0] =	ssyncadd.s32 @!p0 s1  }
0x145: {  	[bflag:$0x3] =	sbarrier.arrive $0xFFFF  }
0x146: {  	_ =	shalt  }

</sc_bundles>
